<compile_context>
chip_gen: v7x
topology: tpu7x:2x2x1
jax: 0.10.2.dev20260603
libtpu: 0.0.44.dev20260713+nightly
codegen_flags: <defaults>
</compile_context>

<pallas_src>
import functools
import math

import jax
import jax.numpy as jnp
from jax import lax
from jax.experimental import pallas as pl
from jax.experimental.pallas import tpu as pltpu
from jax.experimental.pallas import tpu_sc as plsc

D = 128
SCALE = math.sqrt(float(D))
LANES = 16
NC, NS = 2, 16
NW = NC * NS

B_TOTAL = 1024 * 200
PER_W = B_TOTAL // NW
CHUNK = 64
NCH = PER_W // CHUNK
NB = 5
NSB = 5
assert NCH % NB == 0 and NSB == NB


def _scale_chunk(src, dst):
    def row(r, c):
        for s in range(D // LANES):
            sl = pl.ds(s * LANES, LANES)
            dst[r, sl] = src[r, sl] * SCALE
        return c

    lax.fori_loop(0, CHUNK, row, 0)


def _emb_body(seqs_hbm, table_hbm, out_hbm, *rest):
    ibuf = rest[0:NB]
    gbuf = rest[NB:2 * NB]
    sbuf = rest[2 * NB:2 * NB + NSB]
    semi = rest[2 * NB + NSB:3 * NB + NSB]
    semg = rest[3 * NB + NSB:4 * NB + NSB]
    sems = rest[4 * NB + NSB:4 * NB + 2 * NSB]

    wid = lax.axis_index("s") * NC + lax.axis_index("c")
    base = wid * PER_W

    def idxload(k, b):
        return pltpu.make_async_copy(
            seqs_hbm.at[pl.ds(base + k * CHUNK, CHUNK)], ibuf[b], semi[b])

    def gather(b):
        return pltpu.make_async_copy(table_hbm.at[ibuf[b]], gbuf[b], semg[b])

    def scatter(k, b):
        return pltpu.make_async_copy(
            sbuf[b], out_hbm.at[pl.ds(base + k * CHUNK, CHUNK)], sems[b])

    for b in range(NB - 1):
        pltpu.sync_copy(seqs_hbm.at[pl.ds(base + b * CHUNK, CHUNK)], ibuf[b])
        gather(b).start()
    idxload(NB - 1, NB - 1).start()

    def ring(j, carry):
        for b in range(NB):
            k = NB * j + b
            gather(b).wait()

            @pl.when(k >= NSB)
            def _():
                scatter(k - NSB, b).wait()

            _scale_chunk(gbuf[b], sbuf[b])
            scatter(k, b).start()

            @pl.when(k + NB < NCH)
            def _():
                idxload(k + NB, b).start()

            bn = (b + NB - 1) % NB
            @pl.when(k + NB - 1 < NCH)
            def _():
                idxload(k + NB - 1, bn).wait()
                gather(bn).start()
        return carry

    lax.fori_loop(0, NCH // NB, ring, 0)

    for b in range(NSB):
        scatter(NCH - NSB + b, b).wait()




_emb_lookup = functools.partial(
    pl.kernel,
    out_type=jax.ShapeDtypeStruct((B_TOTAL, D), jnp.float32),
    mesh=plsc.VectorSubcoreMesh(core_axis_name="c", subcore_axis_name="s"),
    scratch_types=(
        [pltpu.VMEM((CHUNK,), jnp.int32) for _ in range(NB)]
        + [pltpu.VMEM((CHUNK, D), jnp.float32) for _ in range(NB)]
        + [pltpu.VMEM((CHUNK, D), jnp.float32) for _ in range(NSB)]
        + [pltpu.SemaphoreType.DMA for _ in range(2 * NB + NSB)]
    ),
)(_emb_body)


def _mask_body(lens_ref, out_ref):
    pos = lax.broadcasted_iota(jnp.int32, out_ref.shape, 1)
    valid = pos < lens_ref[:]
    out_ref[:] = jnp.where(valid, jnp.float32(0.0), jnp.float32(-jnp.inf))


def kernel(seqs, seq_lens, embed_table):
    bsz, seq_len = seqs.shape
    flat = seqs.reshape(-1).astype(jnp.int32)
    emb = _emb_lookup(flat, embed_table)
    mask = pl.pallas_call(
        _mask_body,
        out_shape=jax.ShapeDtypeStruct((bsz, seq_len), jnp.float32),
    )(seq_lens.reshape(bsz, 1))
    return emb.reshape(bsz, seq_len, D), mask

# --- scband reference (transcript-rebuilt; emitter-appended) ---
"""Pipeline reference for scband-transformer-token-frontend-76098230550936 (READ-ONLY COPY).

The authoritative reference and input builder live on the scoring server;
editing this copy changes nothing except your own understanding.
"""

import jax, jax.numpy as jnp
import numpy as np
import math

NUM_EMBEDDINGS = 1000000
EMBED_DIM = 128
BATCH = 1024
SEQ_LEN = 200

def setup_inputs(seed: int = 0) -> dict:
    key = jax.random.key(seed)
    k_seqs, k_lens, k_tab = jax.random.split(key, 3)
    seqs = jax.random.randint(k_seqs, (BATCH, SEQ_LEN), 0, NUM_EMBEDDINGS, dtype=jnp.int64 if jax.config.jax_enable_x64 else jnp.int32)
    seq_lens = jax.random.randint(k_lens, (BATCH,), 1, SEQ_LEN + 1, dtype=jnp.int32)
    embed_table = jax.random.normal(k_tab, (NUM_EMBEDDINGS, EMBED_DIM), dtype=jnp.float32) * (EMBED_DIM ** -0.5)
    return {"seqs": seqs, "seq_lens": seq_lens, "embed_table": embed_table}

def _to_padding_mask(seq_lens, batch, seq_len):
    # float padding mask: 0.0 at valid positions, -inf at padded positions
    positions = jnp.arange(seq_len)[None, :]
    valid = positions < seq_lens[:, None]
    return jnp.where(valid, 0.0, -jnp.inf).astype(jnp.float32)

def reference(seqs, seq_lens, embed_table):
    # Token embedding lookup (SparseCore gather)
    embedded = jnp.take(embed_table, seqs, axis=0)  # (N, S, M)
    # Padding mask computed from seq_lens
    padding_mask = _to_padding_mask(seq_lens, seqs.shape[0], seqs.shape[1])
    # Scale by sqrt(model_dim) (no_scale=False)
    scale = math.sqrt(EMBED_DIM)
    embedded = embedded * scale
    # pos_encoder=None, use_layer_norm=False, dropout_p=0.0 -> identity
    return embedded, padding_mask

if __name__ == "__main__":
    import jax
    _d = setup_inputs()
    print(jax.jit(kernel)(*tuple(_d.values())))

</pallas_src>

<mosaic_0001>
#map = affine_map<(d0, d1) -> (0)>
#map1 = affine_map<(d0, d1) -> (0, 0)>
module attributes {stable_mosaic.version = 14 : i64} {
  func.func @_emb_body(%arg0: i32, %arg1: i32, %arg2: memref<204800xi32, #tpu.memory_space<hbm>>, %arg3: memref<1000000x128xf32, #tpu.memory_space<hbm>>, %arg4: memref<204800x128xf32, #tpu.memory_space<hbm>>, %arg5: memref<64xi32, #tpu.memory_space<vmem>>, %arg6: memref<64xi32, #tpu.memory_space<vmem>>, %arg7: memref<64xi32, #tpu.memory_space<vmem>>, %arg8: memref<64xi32, #tpu.memory_space<vmem>>, %arg9: memref<64xi32, #tpu.memory_space<vmem>>, %arg10: memref<64x128xf32, #tpu.memory_space<vmem>>, %arg11: memref<64x128xf32, #tpu.memory_space<vmem>>, %arg12: memref<64x128xf32, #tpu.memory_space<vmem>>, %arg13: memref<64x128xf32, #tpu.memory_space<vmem>>, %arg14: memref<64x128xf32, #tpu.memory_space<vmem>>, %arg15: memref<64x128xf32, #tpu.memory_space<vmem>>, %arg16: memref<64x128xf32, #tpu.memory_space<vmem>>, %arg17: memref<64x128xf32, #tpu.memory_space<vmem>>, %arg18: memref<64x128xf32, #tpu.memory_space<vmem>>, %arg19: memref<64x128xf32, #tpu.memory_space<vmem>>, %arg20: memref<!tpu.dma_semaphore, #tpu.memory_space<semaphore_mem>>, %arg21: memref<!tpu.dma_semaphore, #tpu.memory_space<semaphore_mem>>, %arg22: memref<!tpu.dma_semaphore, #tpu.memory_space<semaphore_mem>>, %arg23: memref<!tpu.dma_semaphore, #tpu.memory_space<semaphore_mem>>, %arg24: memref<!tpu.dma_semaphore, #tpu.memory_space<semaphore_mem>>, %arg25: memref<!tpu.dma_semaphore, #tpu.memory_space<semaphore_mem>>, %arg26: memref<!tpu.dma_semaphore, #tpu.memory_space<semaphore_mem>>, %arg27: memref<!tpu.dma_semaphore, #tpu.memory_space<semaphore_mem>>, %arg28: memref<!tpu.dma_semaphore, #tpu.memory_space<semaphore_mem>>, %arg29: memref<!tpu.dma_semaphore, #tpu.memory_space<semaphore_mem>>, %arg30: memref<!tpu.dma_semaphore, #tpu.memory_space<semaphore_mem>>, %arg31: memref<!tpu.dma_semaphore, #tpu.memory_space<semaphore_mem>>, %arg32: memref<!tpu.dma_semaphore, #tpu.memory_space<semaphore_mem>>, %arg33: memref<!tpu.dma_semaphore, #tpu.memory_space<semaphore_mem>>, %arg34: memref<!tpu.dma_semaphore, #tpu.memory_space<semaphore_mem>>) attributes {dimension_semantics = [#tpu.dimension_semantics<core_parallel>, #tpu.dimension_semantics<subcore_parallel>], iteration_bounds = array<i64: 2, 16>, scalar_prefetch = 0 : i64, scratch_operands = 30 : i64, tpu.core_type = #tpu.core_type<sc_vector_subcore>, window_params = [{transform_indices = #map}, {transform_indices = #map1}, {transform_indices = #map1}]} {
    %mul3A = arith.constant 2 : i32
    %mul3A_0 = arith.muli %arg1, %mul3A : i32
    %add3A = arith.addi %mul3A_0, %arg0 : i32
    %mul3A_1 = arith.constant 6400 : i32
    %mul3A_2 = arith.muli %add3A, %mul3A_1 : i32
    %add3A_3 = arith.constant 0 : i32
    %add3A_4 = arith.addi %mul3A_2, %add3A_3 : i32
    "tpu.region"() ({
      %run_scoped3A = tpu.sem_alloc : memref<!tpu.dma_semaphore, #tpu.memory_space<semaphore_mem>>
      %dma_start3A_60 = tpu.memref_slice %arg2[%add3A_4] : memref<204800xi32, #tpu.memory_space<hbm>> -> memref<64xi32, #tpu.memory_space<hbm>>
      %dma_start3A_61 = tpu.memref_slice %arg2[%add3A_4] : memref<204800xi32, #tpu.memory_space<hbm>> -> memref<64xi32, #tpu.memory_space<hbm>>
      tpu.enqueue_dma source(%dma_start3A_61 : memref<64xi32, #tpu.memory_space<hbm>>) target(%arg5 : memref<64xi32, #tpu.memory_space<vmem>>) target_semaphore(%run_scoped3A : memref<!tpu.dma_semaphore, #tpu.memory_space<semaphore_mem>>)
      %dma_wait3A_62 = tpu.memref_slice %arg2[%add3A_4] : memref<204800xi32, #tpu.memory_space<hbm>> -> memref<64xi32, #tpu.memory_space<hbm>>
      %dma_wait3A_63 = tpu.memref_slice %arg2[%add3A_4] : memref<204800xi32, #tpu.memory_space<hbm>> -> memref<64xi32, #tpu.memory_space<hbm>>
      tpu.wait_dma2 semaphore(%run_scoped3A : memref<!tpu.dma_semaphore, #tpu.memory_space<semaphore_mem>>) src(%dma_wait3A_63 : memref<64xi32, #tpu.memory_space<hbm>>) dst(%arg5 : memref<64xi32, #tpu.memory_space<vmem>>)
      tpu.yield
    }) : () -> ()
    %dma_start3A = arith.constant 0 : i32
    %dma_start3A_5 = arith.constant 0 : i32
    %dma_start3A_6 = tpu.memref_slice %arg3[%dma_start3A, %dma_start3A_5] : memref<1000000x128xf32, #tpu.memory_space<hbm>> -> memref<1000000x128xf32, #tpu.memory_space<hbm>>
    tpu.enqueue_indirect_dma source(%dma_start3A_6 : memref<1000000x128xf32, #tpu.memory_space<hbm>>) target(%arg10 : memref<64x128xf32, #tpu.memory_space<vmem>>) offsets(%arg5 : memref<64xi32, #tpu.memory_space<vmem>>) semaphore(%arg25 : memref<!tpu.dma_semaphore, #tpu.memory_space<semaphore_mem>>)
    %add3A_7 = arith.constant 64 : i32
    %add3A_8 = arith.addi %mul3A_2, %add3A_7 : i32
    "tpu.region"() ({
      %run_scoped3A = tpu.sem_alloc : memref<!tpu.dma_semaphore, #tpu.memory_space<semaphore_mem>>
      %dma_start3A_60 = tpu.memref_slice %arg2[%add3A_8] : memref<204800xi32, #tpu.memory_space<hbm>> -> memref<64xi32, #tpu.memory_space<hbm>>
      %dma_start3A_61 = tpu.memref_slice %arg2[%add3A_8] : memref<204800xi32, #tpu.memory_space<hbm>> -> memref<64xi32, #tpu.memory_space<hbm>>
      tpu.enqueue_dma source(%dma_start3A_61 : memref<64xi32, #tpu.memory_space<hbm>>) target(%arg6 : memref<64xi32, #tpu.memory_space<vmem>>) target_semaphore(%run_scoped3A : memref<!tpu.dma_semaphore, #tpu.memory_space<semaphore_mem>>)
      %dma_wait3A_62 = tpu.memref_slice %arg2[%add3A_8] : memref<204800xi32, #tpu.memory_space<hbm>> -> memref<64xi32, #tpu.memory_space<hbm>>
      %dma_wait3A_63 = tpu.memref_slice %arg2[%add3A_8] : memref<204800xi32, #tpu.memory_space<hbm>> -> memref<64xi32, #tpu.memory_space<hbm>>
      tpu.wait_dma2 semaphore(%run_scoped3A : memref<!tpu.dma_semaphore, #tpu.memory_space<semaphore_mem>>) src(%dma_wait3A_63 : memref<64xi32, #tpu.memory_space<hbm>>) dst(%arg6 : memref<64xi32, #tpu.memory_space<vmem>>)
      tpu.yield
    }) : () -> ()
    %dma_start3A_9 = arith.constant 0 : i32
    %dma_start3A_10 = arith.constant 0 : i32
    %dma_start3A_11 = tpu.memref_slice %arg3[%dma_start3A_9, %dma_start3A_10] : memref<1000000x128xf32, #tpu.memory_space<hbm>> -> memref<1000000x128xf32, #tpu.memory_space<hbm>>
    tpu.enqueue_indirect_dma source(%dma_start3A_11 : memref<1000000x128xf32, #tpu.memory_space<hbm>>) target(%arg11 : memref<64x128xf32, #tpu.memory_space<vmem>>) offsets(%arg6 : memref<64xi32, #tpu.memory_space<vmem>>) semaphore(%arg26 : memref<!tpu.dma_semaphore, #tpu.memory_space<semaphore_mem>>)
    %add3A_12 = arith.constant 128 : i32
    %add3A_13 = arith.addi %mul3A_2, %add3A_12 : i32
    "tpu.region"() ({
      %run_scoped3A = tpu.sem_alloc : memref<!tpu.dma_semaphore, #tpu.memory_space<semaphore_mem>>
      %dma_start3A_60 = tpu.memref_slice %arg2[%add3A_13] : memref<204800xi32, #tpu.memory_space<hbm>> -> memref<64xi32, #tpu.memory_space<hbm>>
      %dma_start3A_61 = tpu.memref_slice %arg2[%add3A_13] : memref<204800xi32, #tpu.memory_space<hbm>> -> memref<64xi32, #tpu.memory_space<hbm>>
      tpu.enqueue_dma source(%dma_start3A_61 : memref<64xi32, #tpu.memory_space<hbm>>) target(%arg7 : memref<64xi32, #tpu.memory_space<vmem>>) target_semaphore(%run_scoped3A : memref<!tpu.dma_semaphore, #tpu.memory_space<semaphore_mem>>)
      %dma_wait3A_62 = tpu.memref_slice %arg2[%add3A_13] : memref<204800xi32, #tpu.memory_space<hbm>> -> memref<64xi32, #tpu.memory_space<hbm>>
      %dma_wait3A_63 = tpu.memref_slice %arg2[%add3A_13] : memref<204800xi32, #tpu.memory_space<hbm>> -> memref<64xi32, #tpu.memory_space<hbm>>
      tpu.wait_dma2 semaphore(%run_scoped3A : memref<!tpu.dma_semaphore, #tpu.memory_space<semaphore_mem>>) src(%dma_wait3A_63 : memref<64xi32, #tpu.memory_space<hbm>>) dst(%arg7 : memref<64xi32, #tpu.memory_space<vmem>>)
      tpu.yield
    }) : () -> ()
    %dma_start3A_14 = arith.constant 0 : i32
    %dma_start3A_15 = arith.constant 0 : i32
    %dma_start3A_16 = tpu.memref_slice %arg3[%dma_start3A_14, %dma_start3A_15] : memref<1000000x128xf32, #tpu.memory_space<hbm>> -> memref<1000000x128xf32, #tpu.memory_space<hbm>>
    tpu.enqueue_indirect_dma source(%dma_start3A_16 : memref<1000000x128xf32, #tpu.memory_space<hbm>>) target(%arg12 : memref<64x128xf32, #tpu.memory_space<vmem>>) offsets(%arg7 : memref<64xi32, #tpu.memory_space<vmem>>) semaphore(%arg27 : memref<!tpu.dma_semaphore, #tpu.memory_space<semaphore_mem>>)
    %add3A_17 = arith.constant 192 : i32
    %add3A_18 = arith.addi %mul3A_2, %add3A_17 : i32
    "tpu.region"() ({
      %run_scoped3A = tpu.sem_alloc : memref<!tpu.dma_semaphore, #tpu.memory_space<semaphore_mem>>
      %dma_start3A_60 = tpu.memref_slice %arg2[%add3A_18] : memref<204800xi32, #tpu.memory_space<hbm>> -> memref<64xi32, #tpu.memory_space<hbm>>
      %dma_start3A_61 = tpu.memref_slice %arg2[%add3A_18] : memref<204800xi32, #tpu.memory_space<hbm>> -> memref<64xi32, #tpu.memory_space<hbm>>
      tpu.enqueue_dma source(%dma_start3A_61 : memref<64xi32, #tpu.memory_space<hbm>>) target(%arg8 : memref<64xi32, #tpu.memory_space<vmem>>) target_semaphore(%run_scoped3A : memref<!tpu.dma_semaphore, #tpu.memory_space<semaphore_mem>>)
      %dma_wait3A_62 = tpu.memref_slice %arg2[%add3A_18] : memref<204800xi32, #tpu.memory_space<hbm>> -> memref<64xi32, #tpu.memory_space<hbm>>
      %dma_wait3A_63 = tpu.memref_slice %arg2[%add3A_18] : memref<204800xi32, #tpu.memory_space<hbm>> -> memref<64xi32, #tpu.memory_space<hbm>>
      tpu.wait_dma2 semaphore(%run_scoped3A : memref<!tpu.dma_semaphore, #tpu.memory_space<semaphore_mem>>) src(%dma_wait3A_63 : memref<64xi32, #tpu.memory_space<hbm>>) dst(%arg8 : memref<64xi32, #tpu.memory_space<vmem>>)
      tpu.yield
    }) : () -> ()
    %dma_start3A_19 = arith.constant 0 : i32
    %dma_start3A_20 = arith.constant 0 : i32
    %dma_start3A_21 = tpu.memref_slice %arg3[%dma_start3A_19, %dma_start3A_20] : memref<1000000x128xf32, #tpu.memory_space<hbm>> -> memref<1000000x128xf32, #tpu.memory_space<hbm>>
    tpu.enqueue_indirect_dma source(%dma_start3A_21 : memref<1000000x128xf32, #tpu.memory_space<hbm>>) target(%arg13 : memref<64x128xf32, #tpu.memory_space<vmem>>) offsets(%arg8 : memref<64xi32, #tpu.memory_space<vmem>>) semaphore(%arg28 : memref<!tpu.dma_semaphore, #tpu.memory_space<semaphore_mem>>)
    %add3A_22 = arith.constant 256 : i32
    %add3A_23 = arith.addi %mul3A_2, %add3A_22 : i32
    %dma_start3A_24 = tpu.memref_slice %arg2[%add3A_23] : memref<204800xi32, #tpu.memory_space<hbm>> -> memref<64xi32, #tpu.memory_space<hbm>>
    %dma_start3A_25 = tpu.memref_slice %arg2[%add3A_23] : memref<204800xi32, #tpu.memory_space<hbm>> -> memref<64xi32, #tpu.memory_space<hbm>>
    tpu.enqueue_dma source(%dma_start3A_25 : memref<64xi32, #tpu.memory_space<hbm>>) target(%arg9 : memref<64xi32, #tpu.memory_space<vmem>>) target_semaphore(%arg24 : memref<!tpu.dma_semaphore, #tpu.memory_space<semaphore_mem>>)
    %scan3A = arith.constant 0 : i32
    %scan3A_26 = arith.constant 0 : i32
    %scan3A_27 = arith.constant 20 : i32
    %scan3A_28 = arith.addi %scan3A_26, %scan3A_27 : i32
    %scan3A_29 = arith.constant 1 : i32
    scf.for %scan3A_60 = %scan3A_26 to %scan3A_28 step %scan3A_29  : i32 {
      %mul3A_61 = arith.constant 5 : i32
      %mul3A_62 = arith.muli %mul3A_61, %scan3A_60 : i32
      %add3A_63 = arith.constant 0 : i32
      %add3A_64 = arith.addi %mul3A_62, %add3A_63 : i32
      %dma_wait3A_65 = arith.constant 0 : i32
      %dma_wait3A_66 = arith.constant 0 : i32
      %dma_wait3A_67 = tpu.memref_slice %arg3[%dma_wait3A_65, %dma_wait3A_66] : memref<1000000x128xf32, #tpu.memory_space<hbm>> -> memref<1000000x128xf32, #tpu.memory_space<hbm>>
      tpu.wait_indirect_dma semaphore(%arg25 : memref<!tpu.dma_semaphore, #tpu.memory_space<semaphore_mem>>) src(%dma_wait3A_67 : memref<1000000x128xf32, #tpu.memory_space<hbm>>) dst(%arg10 : memref<64x128xf32, #tpu.memory_space<vmem>>)
      %ge3A = arith.constant 5 : i32
      %ge3A_68 = arith.cmpi sge, %add3A_64, %ge3A : i32
      %convert_element_type3A = arith.extui %ge3A_68 : i1 to i32
      %cond3A = arith.constant 0 : i32
      %cond3A_69 = arith.cmpi ne, %convert_element_type3A, %cond3A : i32
      scf.if %cond3A_69 {
        %sub3A_261 = arith.constant 5 : i32
        %sub3A_262 = arith.subi %add3A_64, %sub3A_261 : i32
        %mul3A_263 = arith.constant 64 : i32
        %mul3A_264 = arith.muli %sub3A_262, %mul3A_263 : i32
        %add3A_265 = arith.addi %mul3A_2, %mul3A_264 : i32
        %dma_wait3A_266 = arith.constant 0 : i32
        %dma_wait3A_267 = tpu.memref_slice %arg4[%add3A_265, %dma_wait3A_266] : memref<204800x128xf32, #tpu.memory_space<hbm>> -> memref<64x128xf32, #tpu.memory_space<hbm>>
        %dma_wait3A_268 = arith.constant 0 : i32
        %dma_wait3A_269 = tpu.memref_slice %arg4[%add3A_265, %dma_wait3A_268] : memref<204800x128xf32, #tpu.memory_space<hbm>> -> memref<64x128xf32, #tpu.memory_space<hbm>>
        tpu.wait_dma2 semaphore(%arg30 : memref<!tpu.dma_semaphore, #tpu.memory_space<semaphore_mem>>) src(%arg15 : memref<64x128xf32, #tpu.memory_space<vmem>>) dst(%dma_wait3A_269 : memref<64x128xf32, #tpu.memory_space<hbm>>)
      } else {
      }
      %scan3A_70 = arith.constant 0 : i32
      %scan3A_71 = arith.constant 0 : i32
      %scan3A_72 = arith.constant 64 : i32
      %scan3A_73 = arith.addi %scan3A_71, %scan3A_72 : i32
      %scan3A_74 = arith.constant 1 : i32
      scf.for %scan3A_261 = %scan3A_71 to %scan3A_73 step %scan3A_74  : i32 {
        %get3A = arith.index_cast %scan3A_261 : i32 to index
        %get3A_262 = arith.constant 0 : index
        %get3A_263 = tpu.vector_load %arg10[%get3A, %get3A_262] {strides = array<i32>} : memref<64x128xf32, #tpu.memory_space<vmem>>, vector<1x16xf32>,
        %get3A_264 = vector.shape_cast %get3A_263 : vector<1x16xf32> to vector<16xf32>
        %mul3A_265 = arith.constant 11.3137083 : f32
        %mul3A_266 = vector.broadcast %mul3A_265 : f32 to vector<16xf32>
        %mul3A_267 = arith.mulf %get3A_264, %mul3A_266 : vector<16xf32>
        %swap3A = arith.index_cast %scan3A_261 : i32 to index
        %swap3A_268 = arith.constant 0 : index
        %swap3A_269 = tpu.vector_load %arg15[%swap3A, %swap3A_268] {strides = array<i32>} : memref<64x128xf32, #tpu.memory_space<vmem>>, vector<1x16xf32>,
        %swap3A_270 = vector.shape_cast %swap3A_269 : vector<1x16xf32> to vector<16xf32>
        %swap3A_271 = vector.shape_cast %mul3A_267 : vector<16xf32> to vector<1x16xf32>
        tpu.vector_store %arg15[%swap3A, %swap3A_268], %swap3A_271 {strides = array<i32>} : memref<64x128xf32, #tpu.memory_space<vmem>>, vector<1x16xf32>,
        %get3A_272 = arith.index_cast %scan3A_261 : i32 to index
        %get3A_273 = arith.constant 16 : index
        %get3A_274 = tpu.vector_load %arg10[%get3A_272, %get3A_273] {strides = array<i32>} : memref<64x128xf32, #tpu.memory_space<vmem>>, vector<1x16xf32>,
        %get3A_275 = vector.shape_cast %get3A_274 : vector<1x16xf32> to vector<16xf32>
        %mul3A_276 = arith.constant 11.3137083 : f32
        %mul3A_277 = vector.broadcast %mul3A_276 : f32 to vector<16xf32>
        %mul3A_278 = arith.mulf %get3A_275, %mul3A_277 : vector<16xf32>
        %swap3A_279 = arith.index_cast %scan3A_261 : i32 to index
        %swap3A_280 = arith.constant 16 : index
        %swap3A_281 = tpu.vector_load %arg15[%swap3A_279, %swap3A_280] {strides = array<i32>} : memref<64x128xf32, #tpu.memory_space<vmem>>, vector<1x16xf32>,
        %swap3A_282 = vector.shape_cast %swap3A_281 : vector<1x16xf32> to vector<16xf32>
        %swap3A_283 = vector.shape_cast %mul3A_278 : vector<16xf32> to vector<1x16xf32>
        tpu.vector_store %arg15[%swap3A_279, %swap3A_280], %swap3A_283 {strides = array<i32>} : memref<64x128xf32, #tpu.memory_space<vmem>>, vector<1x16xf32>,
        %get3A_284 = arith.index_cast %scan3A_261 : i32 to index
        %get3A_285 = arith.constant 32 : index
        %get3A_286 = tpu.vector_load %arg10[%get3A_284, %get3A_285] {strides = array<i32>} : memref<64x128xf32, #tpu.memory_space<vmem>>, vector<1x16xf32>,
        %get3A_287 = vector.shape_cast %get3A_286 : vector<1x16xf32> to vector<16xf32>
        %mul3A_288 = arith.constant 11.3137083 : f32
        %mul3A_289 = vector.broadcast %mul3A_288 : f32 to vector<16xf32>
        %mul3A_290 = arith.mulf %get3A_287, %mul3A_289 : vector<16xf32>
        %swap3A_291 = arith.index_cast %scan3A_261 : i32 to index
        %swap3A_292 = arith.constant 32 : index
        %swap3A_293 = tpu.vector_load %arg15[%swap3A_291, %swap3A_292] {strides = array<i32>} : memref<64x128xf32, #tpu.memory_space<vmem>>, vector<1x16xf32>,
        %swap3A_294 = vector.shape_cast %swap3A_293 : vector<1x16xf32> to vector<16xf32>
        %swap3A_295 = vector.shape_cast %mul3A_290 : vector<16xf32> to vector<1x16xf32>
        tpu.vector_store %arg15[%swap3A_291, %swap3A_292], %swap3A_295 {strides = array<i32>} : memref<64x128xf32, #tpu.memory_space<vmem>>, vector<1x16xf32>,
        %get3A_296 = arith.index_cast %scan3A_261 : i32 to index
        %get3A_297 = arith.constant 48 : index
        %get3A_298 = tpu.vector_load %arg10[%get3A_296, %get3A_297] {strides = array<i32>} : memref<64x128xf32, #tpu.memory_space<vmem>>, vector<1x16xf32>,
        %get3A_299 = vector.shape_cast %get3A_298 : vector<1x16xf32> to vector<16xf32>
        %mul3A_300 = arith.constant 11.3137083 : f32
        %mul3A_301 = vector.broadcast %mul3A_300 : f32 to vector<16xf32>
        %mul3A_302 = arith.mulf %get3A_299, %mul3A_301 : vector<16xf32>
        %swap3A_303 = arith.index_cast %scan3A_261 : i32 to index
        %swap3A_304 = arith.constant 48 : index
        %swap3A_305 = tpu.vector_load %arg15[%swap3A_303, %swap3A_304] {strides = array<i32>} : memref<64x128xf32, #tpu.memory_space<vmem>>, vector<1x16xf32>,
        %swap3A_306 = vector.shape_cast %swap3A_305 : vector<1x16xf32> to vector<16xf32>
        %swap3A_307 = vector.shape_cast %mul3A_302 : vector<16xf32> to vector<1x16xf32>
        tpu.vector_store %arg15[%swap3A_303, %swap3A_304], %swap3A_307 {strides = array<i32>} : memref<64x128xf32, #tpu.memory_space<vmem>>, vector<1x16xf32>,
        %get3A_308 = arith.index_cast %scan3A_261 : i32 to index
        %get3A_309 = arith.constant 64 : index
        %get3A_310 = tpu.vector_load %arg10[%get3A_308, %get3A_309] {strides = array<i32>} : memref<64x128xf32, #tpu.memory_space<vmem>>, vector<1x16xf32>,
        %get3A_311 = vector.shape_cast %get3A_310 : vector<1x16xf32> to vector<16xf32>
        %mul3A_312 = arith.constant 11.3137083 : f32
        %mul3A_313 = vector.broadcast %mul3A_312 : f32 to vector<16xf32>
        %mul3A_314 = arith.mulf %get3A_311, %mul3A_313 : vector<16xf32>
        %swap3A_315 = arith.index_cast %scan3A_261 : i32 to index
        %swap3A_316 = arith.constant 64 : index
        %swap3A_317 = tpu.vector_load %arg15[%swap3A_315, %swap3A_316] {strides = array<i32>} : memref<64x128xf32, #tpu.memory_space<vmem>>, vector<1x16xf32>,
        %swap3A_318 = vector.shape_cast %swap3A_317 : vector<1x16xf32> to vector<16xf32>
        %swap3A_319 = vector.shape_cast %mul3A_314 : vector<16xf32> to vector<1x16xf32>
        tpu.vector_store %arg15[%swap3A_315, %swap3A_316], %swap3A_319 {strides = array<i32>} : memref<64x128xf32, #tpu.memory_space<vmem>>, vector<1x16xf32>,
        %get3A_320 = arith.index_cast %scan3A_261 : i32 to index
        %get3A_321 = arith.constant 80 : index
        %get3A_322 = tpu.vector_load %arg10[%get3A_320, %get3A_321] {strides = array<i32>} : memref<64x128xf32, #tpu.memory_space<vmem>>, vector<1x16xf32>,
        %get3A_323 = vector.shape_cast %get3A_322 : vector<1x16xf32> to vector<16xf32>
        %mul3A_324 = arith.constant 11.3137083 : f32
        %mul3A_325 = vector.broadcast %mul3A_324 : f32 to vector<16xf32>
        %mul3A_326 = arith.mulf %get3A_323, %mul3A_325 : vector<16xf32>
        %swap3A_327 = arith.index_cast %scan3A_261 : i32 to index
        %swap3A_328 = arith.constant 80 : index
        %swap3A_329 = tpu.vector_load %arg15[%swap3A_327, %swap3A_328] {strides = array<i32>} : memref<64x128xf32, #tpu.memory_space<vmem>>, vector<1x16xf32>,
        %swap3A_330 = vector.shape_cast %swap3A_329 : vector<1x16xf32> to vector<16xf32>
        %swap3A_331 = vector.shape_cast %mul3A_326 : vector<16xf32> to vector<1x16xf32>
        tpu.vector_store %arg15[%swap3A_327, %swap3A_328], %swap3A_331 {strides = array<i32>} : memref<64x128xf32, #tpu.memory_space<vmem>>, vector<1x16xf32>,
        %get3A_332 = arith.index_cast %scan3A_261 : i32 to index
        %get3A_333 = arith.constant 96 : index
        %get3A_334 = tpu.vector_load %arg10[%get3A_332, %get3A_333] {strides = array<i32>} : memref<64x128xf32, #tpu.memory_space<vmem>>, vector<1x16xf32>,
        %get3A_335 = vector.shape_cast %get3A_334 : vector<1x16xf32> to vector<16xf32>
        %mul3A_336 = arith.constant 11.3137083 : f32
        %mul3A_337 = vector.broadcast %mul3A_336 : f32 to vector<16xf32>
        %mul3A_338 = arith.mulf %get3A_335, %mul3A_337 : vector<16xf32>
        %swap3A_339 = arith.index_cast %scan3A_261 : i32 to index
        %swap3A_340 = arith.constant 96 : index
        %swap3A_341 = tpu.vector_load %arg15[%swap3A_339, %swap3A_340] {strides = array<i32>} : memref<64x128xf32, #tpu.memory_space<vmem>>, vector<1x16xf32>,
        %swap3A_342 = vector.shape_cast %swap3A_341 : vector<1x16xf32> to vector<16xf32>
        %swap3A_343 = vector.shape_cast %mul3A_338 : vector<16xf32> to vector<1x16xf32>
        tpu.vector_store %arg15[%swap3A_339, %swap3A_340], %swap3A_343 {strides = array<i32>} : memref<64x128xf32, #tpu.memory_space<vmem>>, vector<1x16xf32>,
        %get3A_344 = arith.index_cast %scan3A_261 : i32 to index
        %get3A_345 = arith.constant 112 : index
        %get3A_346 = tpu.vector_load %arg10[%get3A_344, %get3A_345] {strides = array<i32>} : memref<64x128xf32, #tpu.memory_space<vmem>>, vector<1x16xf32>,
        %get3A_347 = vector.shape_cast %get3A_346 : vector<1x16xf32> to vector<16xf32>
        %mul3A_348 = arith.constant 11.3137083 : f32
        %mul3A_349 = vector.broadcast %mul3A_348 : f32 to vector<16xf32>
        %mul3A_350 = arith.mulf %get3A_347, %mul3A_349 : vector<16xf32>
        %swap3A_351 = arith.index_cast %scan3A_261 : i32 to index
        %swap3A_352 = arith.constant 112 : index
        %swap3A_353 = tpu.vector_load %arg15[%swap3A_351, %swap3A_352] {strides = array<i32>} : memref<64x128xf32, #tpu.memory_space<vmem>>, vector<1x16xf32>,
        %swap3A_354 = vector.shape_cast %swap3A_353 : vector<1x16xf32> to vector<16xf32>
        %swap3A_355 = vector.shape_cast %mul3A_350 : vector<16xf32> to vector<1x16xf32>
        tpu.vector_store %arg15[%swap3A_351, %swap3A_352], %swap3A_355 {strides = array<i32>} : memref<64x128xf32, #tpu.memory_space<vmem>>, vector<1x16xf32>,
      }
      %scan3A_75 = arith.constant 64 : i32
      %mul3A_76 = arith.constant 64 : i32
      %mul3A_77 = arith.muli %add3A_64, %mul3A_76 : i32
      %add3A_78 = arith.addi %mul3A_2, %mul3A_77 : i32
      %dma_start3A_79 = arith.constant 0 : i32
      %dma_start3A_80 = tpu.memref_slice %arg4[%add3A_78, %dma_start3A_79] : memref<204800x128xf32, #tpu.memory_space<hbm>> -> memref<64x128xf32, #tpu.memory_space<hbm>>
      %dma_start3A_81 = arith.constant 0 : i32
      %dma_start3A_82 = tpu.memref_slice %arg4[%add3A_78, %dma_start3A_81] : memref<204800x128xf32, #tpu.memory_space<hbm>> -> memref<64x128xf32, #tpu.memory_space<hbm>>
      tpu.enqueue_dma source(%arg15 : memref<64x128xf32, #tpu.memory_space<vmem>>) target(%dma_start3A_82 : memref<64x128xf32, #tpu.memory_space<hbm>>) target_semaphore(%arg30 : memref<!tpu.dma_semaphore, #tpu.memory_space<semaphore_mem>>)
      %add3A_83 = arith.constant 5 : i32
      %add3A_84 = arith.addi %add3A_64, %add3A_83 : i32
      %lt3A = arith.constant 100 : i32
      %lt3A_85 = arith.cmpi slt, %add3A_84, %lt3A : i32
      %convert_element_type3A_86 = arith.extui %lt3A_85 : i1 to i32
      %cond3A_87 = arith.constant 0 : i32
      %cond3A_88 = arith.cmpi ne, %convert_element_type3A_86, %cond3A_87 : i32
      scf.if %cond3A_88 {
        %add3A_261 = arith.constant 5 : i32
        %add3A_262 = arith.addi %add3A_64, %add3A_261 : i32
        %mul3A_263 = arith.constant 64 : i32
        %mul3A_264 = arith.muli %add3A_262, %mul3A_263 : i32
        %add3A_265 = arith.addi %mul3A_2, %mul3A_264 : i32
        %dma_start3A_266 = tpu.memref_slice %arg2[%add3A_265] : memref<204800xi32, #tpu.memory_space<hbm>> -> memref<64xi32, #tpu.memory_space<hbm>>
        %dma_start3A_267 = tpu.memref_slice %arg2[%add3A_265] : memref<204800xi32, #tpu.memory_space<hbm>> -> memref<64xi32, #tpu.memory_space<hbm>>
        tpu.enqueue_dma source(%dma_start3A_267 : memref<64xi32, #tpu.memory_space<hbm>>) target(%arg5 : memref<64xi32, #tpu.memory_space<vmem>>) target_semaphore(%arg20 : memref<!tpu.dma_semaphore, #tpu.memory_space<semaphore_mem>>)
      } else {
      }
      %add3A_89 = arith.constant 5 : i32
      %add3A_90 = arith.addi %add3A_64, %add3A_89 : i32
      %sub3A = arith.constant 1 : i32
      %sub3A_91 = arith.subi %add3A_90, %sub3A : i32
      %lt3A_92 = arith.constant 100 : i32
      %lt3A_93 = arith.cmpi slt, %sub3A_91, %lt3A_92 : i32
      %convert_element_type3A_94 = arith.extui %lt3A_93 : i1 to i32
      %cond3A_95 = arith.constant 0 : i32
      %cond3A_96 = arith.cmpi ne, %convert_element_type3A_94, %cond3A_95 : i32
      scf.if %cond3A_96 {
        %add3A_261 = arith.constant 5 : i32
        %add3A_262 = arith.addi %add3A_64, %add3A_261 : i32
        %sub3A_263 = arith.constant 1 : i32
        %sub3A_264 = arith.subi %add3A_262, %sub3A_263 : i32
        %mul3A_265 = arith.constant 64 : i32
        %mul3A_266 = arith.muli %sub3A_264, %mul3A_265 : i32
        %add3A_267 = arith.addi %mul3A_2, %mul3A_266 : i32
        %dma_wait3A_268 = tpu.memref_slice %arg2[%add3A_267] : memref<204800xi32, #tpu.memory_space<hbm>> -> memref<64xi32, #tpu.memory_space<hbm>>
        %dma_wait3A_269 = tpu.memref_slice %arg2[%add3A_267] : memref<204800xi32, #tpu.memory_space<hbm>> -> memref<64xi32, #tpu.memory_space<hbm>>
        tpu.wait_dma2 semaphore(%arg24 : memref<!tpu.dma_semaphore, #tpu.memory_space<semaphore_mem>>) src(%dma_wait3A_269 : memref<64xi32, #tpu.memory_space<hbm>>) dst(%arg9 : memref<64xi32, #tpu.memory_space<vmem>>)
        %dma_start3A_270 = arith.constant 0 : i32
        %dma_start3A_271 = arith.constant 0 : i32
        %dma_start3A_272 = tpu.memref_slice %arg3[%dma_start3A_270, %dma_start3A_271] : memref<1000000x128xf32, #tpu.memory_space<hbm>> -> memref<1000000x128xf32, #tpu.memory_space<hbm>>
        tpu.enqueue_indirect_dma source(%dma_start3A_272 : memref<1000000x128xf32, #tpu.memory_space<hbm>>) target(%arg14 : memref<64x128xf32, #tpu.memory_space<vmem>>) offsets(%arg9 : memref<64xi32, #tpu.memory_space<vmem>>) semaphore(%arg29 : memref<!tpu.dma_semaphore, #tpu.memory_space<semaphore_mem>>)
      } else {
      }
      %mul3A_97 = arith.constant 5 : i32
      %mul3A_98 = arith.muli %mul3A_97, %scan3A_60 : i32
      %add3A_99 = arith.constant 1 : i32
      %add3A_100 = arith.addi %mul3A_98, %add3A_99 : i32
      %dma_wait3A_101 = arith.constant 0 : i32
      %dma_wait3A_102 = arith.constant 0 : i32
      %dma_wait3A_103 = tpu.memref_slice %arg3[%dma_wait3A_101, %dma_wait3A_102] : memref<1000000x128xf32, #tpu.memory_space<hbm>> -> memref<1000000x128xf32, #tpu.memory_space<hbm>>
      tpu.wait_indirect_dma semaphore(%arg26 : memref<!tpu.dma_semaphore, #tpu.memory_space<semaphore_mem>>) src(%dma_wait3A_103 : memref<1000000x128xf32, #tpu.memory_space<hbm>>) dst(%arg11 : memref<64x128xf32, #tpu.memory_space<vmem>>)
      %ge3A_104 = arith.constant 5 : i32
      %ge3A_105 = arith.cmpi sge, %add3A_100, %ge3A_104 : i32
      %convert_element_type3A_106 = arith.extui %ge3A_105 : i1 to i32
      %cond3A_107 = arith.constant 0 : i32
      %cond3A_108 = arith.cmpi ne, %convert_element_type3A_106, %cond3A_107 : i32
      scf.if %cond3A_108 {
        %sub3A_261 = arith.constant 5 : i32
        %sub3A_262 = arith.subi %add3A_100, %sub3A_261 : i32
        %mul3A_263 = arith.constant 64 : i32
        %mul3A_264 = arith.muli %sub3A_262, %mul3A_263 : i32
        %add3A_265 = arith.addi %mul3A_2, %mul3A_264 : i32
        %dma_wait3A_266 = arith.constant 0 : i32
        %dma_wait3A_267 = tpu.memref_slice %arg4[%add3A_265, %dma_wait3A_266] : memref<204800x128xf32, #tpu.memory_space<hbm>> -> memref<64x128xf32, #tpu.memory_space<hbm>>
        %dma_wait3A_268 = arith.constant 0 : i32
        %dma_wait3A_269 = tpu.memref_slice %arg4[%add3A_265, %dma_wait3A_268] : memref<204800x128xf32, #tpu.memory_space<hbm>> -> memref<64x128xf32, #tpu.memory_space<hbm>>
        tpu.wait_dma2 semaphore(%arg31 : memref<!tpu.dma_semaphore, #tpu.memory_space<semaphore_mem>>) src(%arg16 : memref<64x128xf32, #tpu.memory_space<vmem>>) dst(%dma_wait3A_269 : memref<64x128xf32, #tpu.memory_space<hbm>>)
      } else {
      }
      %scan3A_109 = arith.constant 0 : i32
      %scan3A_110 = arith.constant 0 : i32
      %scan3A_111 = arith.constant 64 : i32
      %scan3A_112 = arith.addi %scan3A_110, %scan3A_111 : i32
      %scan3A_113 = arith.constant 1 : i32
      scf.for %scan3A_261 = %scan3A_110 to %scan3A_112 step %scan3A_113  : i32 {
        %get3A = arith.index_cast %scan3A_261 : i32 to index
        %get3A_262 = arith.constant 0 : index
        %get3A_263 = tpu.vector_load %arg11[%get3A, %get3A_262] {strides = array<i32>} : memref<64x128xf32, #tpu.memory_space<vmem>>, vector<1x16xf32>,
        %get3A_264 = vector.shape_cast %get3A_263 : vector<1x16xf32> to vector<16xf32>
        %mul3A_265 = arith.constant 11.3137083 : f32
        %mul3A_266 = vector.broadcast %mul3A_265 : f32 to vector<16xf32>
        %mul3A_267 = arith.mulf %get3A_264, %mul3A_266 : vector<16xf32>
        %swap3A = arith.index_cast %scan3A_261 : i32 to index
        %swap3A_268 = arith.constant 0 : index
        %swap3A_269 = tpu.vector_load %arg16[%swap3A, %swap3A_268] {strides = array<i32>} : memref<64x128xf32, #tpu.memory_space<vmem>>, vector<1x16xf32>,
        %swap3A_270 = vector.shape_cast %swap3A_269 : vector<1x16xf32> to vector<16xf32>
        %swap3A_271 = vector.shape_cast %mul3A_267 : vector<16xf32> to vector<1x16xf32>
        tpu.vector_store %arg16[%swap3A, %swap3A_268], %swap3A_271 {strides = array<i32>} : memref<64x128xf32, #tpu.memory_space<vmem>>, vector<1x16xf32>,
        %get3A_272 = arith.index_cast %scan3A_261 : i32 to index
        %get3A_273 = arith.constant 16 : index
        %get3A_274 = tpu.vector_load %arg11[%get3A_272, %get3A_273] {strides = array<i32>} : memref<64x128xf32, #tpu.memory_space<vmem>>, vector<1x16xf32>,
        %get3A_275 = vector.shape_cast %get3A_274 : vector<1x16xf32> to vector<16xf32>
        %mul3A_276 = arith.constant 11.3137083 : f32
        %mul3A_277 = vector.broadcast %mul3A_276 : f32 to vector<16xf32>
        %mul3A_278 = arith.mulf %get3A_275, %mul3A_277 : vector<16xf32>
        %swap3A_279 = arith.index_cast %scan3A_261 : i32 to index
        %swap3A_280 = arith.constant 16 : index
        %swap3A_281 = tpu.vector_load %arg16[%swap3A_279, %swap3A_280] {strides = array<i32>} : memref<64x128xf32, #tpu.memory_space<vmem>>, vector<1x16xf32>,
        %swap3A_282 = vector.shape_cast %swap3A_281 : vector<1x16xf32> to vector<16xf32>
        %swap3A_283 = vector.shape_cast %mul3A_278 : vector<16xf32> to vector<1x16xf32>
        tpu.vector_store %arg16[%swap3A_279, %swap3A_280], %swap3A_283 {strides = array<i32>} : memref<64x128xf32, #tpu.memory_space<vmem>>, vector<1x16xf32>,
        %get3A_284 = arith.index_cast %scan3A_261 : i32 to index
        %get3A_285 = arith.constant 32 : index
        %get3A_286 = tpu.vector_load %arg11[%get3A_284, %get3A_285] {strides = array<i32>} : memref<64x128xf32, #tpu.memory_space<vmem>>, vector<1x16xf32>,
        %get3A_287 = vector.shape_cast %get3A_286 : vector<1x16xf32> to vector<16xf32>
        %mul3A_288 = arith.constant 11.3137083 : f32
        %mul3A_289 = vector.broadcast %mul3A_288 : f32 to vector<16xf32>
        %mul3A_290 = arith.mulf %get3A_287, %mul3A_289 : vector<16xf32>
        %swap3A_291 = arith.index_cast %scan3A_261 : i32 to index
        %swap3A_292 = arith.constant 32 : index
        %swap3A_293 = tpu.vector_load %arg16[%swap3A_291, %swap3A_292] {strides = array<i32>} : memref<64x128xf32, #tpu.memory_space<vmem>>, vector<1x16xf32>,
        %swap3A_294 = vector.shape_cast %swap3A_293 : vector<1x16xf32> to vector<16xf32>
        %swap3A_295 = vector.shape_cast %mul3A_290 : vector<16xf32> to vector<1x16xf32>
        tpu.vector_store %arg16[%swap3A_291, %swap3A_292], %swap3A_295 {strides = array<i32>} : memref<64x128xf32, #tpu.memory_space<vmem>>, vector<1x16xf32>,
        %get3A_296 = arith.index_cast %scan3A_261 : i32 to index
        %get3A_297 = arith.constant 48 : index
        %get3A_298 = tpu.vector_load %arg11[%get3A_296, %get3A_297] {strides = array<i32>} : memref<64x128xf32, #tpu.memory_space<vmem>>, vector<1x16xf32>,
        %get3A_299 = vector.shape_cast %get3A_298 : vector<1x16xf32> to vector<16xf32>
        %mul3A_300 = arith.constant 11.3137083 : f32
        %mul3A_301 = vector.broadcast %mul3A_300 : f32 to vector<16xf32>
        %mul3A_302 = arith.mulf %get3A_299, %mul3A_301 : vector<16xf32>
        %swap3A_303 = arith.index_cast %scan3A_261 : i32 to index
        %swap3A_304 = arith.constant 48 : index
        %swap3A_305 = tpu.vector_load %arg16[%swap3A_303, %swap3A_304] {strides = array<i32>} : memref<64x128xf32, #tpu.memory_space<vmem>>, vector<1x16xf32>,
        %swap3A_306 = vector.shape_cast %swap3A_305 : vector<1x16xf32> to vector<16xf32>
        %swap3A_307 = vector.shape_cast %mul3A_302 : vector<16xf32> to vector<1x16xf32>
        tpu.vector_store %arg16[%swap3A_303, %swap3A_304], %swap3A_307 {strides = array<i32>} : memref<64x128xf32, #tpu.memory_space<vmem>>, vector<1x16xf32>,
        %get3A_308 = arith.index_cast %scan3A_261 : i32 to index
        %get3A_309 = arith.constant 64 : index
        %get3A_310 = tpu.vector_load %arg11[%get3A_308, %get3A_309] {strides = array<i32>} : memref<64x128xf32, #tpu.memory_space<vmem>>, vector<1x16xf32>,
        %get3A_311 = vector.shape_cast %get3A_310 : vector<1x16xf32> to vector<16xf32>
        %mul3A_312 = arith.constant 11.3137083 : f32
        %mul3A_313 = vector.broadcast %mul3A_312 : f32 to vector<16xf32>
        %mul3A_314 = arith.mulf %get3A_311, %mul3A_313 : vector<16xf32>
        %swap3A_315 = arith.index_cast %scan3A_261 : i32 to index
        %swap3A_316 = arith.constant 64 : index
        %swap3A_317 = tpu.vector_load %arg16[%swap3A_315, %swap3A_316] {strides = array<i32>} : memref<64x128xf32, #tpu.memory_space<vmem>>, vector<1x16xf32>,
        %swap3A_318 = vector.shape_cast %swap3A_317 : vector<1x16xf32> to vector<16xf32>
        %swap3A_319 = vector.shape_cast %mul3A_314 : vector<16xf32> to vector<1x16xf32>
        tpu.vector_store %arg16[%swap3A_315, %swap3A_316], %swap3A_319 {strides = array<i32>} : memref<64x128xf32, #tpu.memory_space<vmem>>, vector<1x16xf32>,
        %get3A_320 = arith.index_cast %scan3A_261 : i32 to index
        %get3A_321 = arith.constant 80 : index
        %get3A_322 = tpu.vector_load %arg11[%get3A_320, %get3A_321] {strides = array<i32>} : memref<64x128xf32, #tpu.memory_space<vmem>>, vector<1x16xf32>,
        %get3A_323 = vector.shape_cast %get3A_322 : vector<1x16xf32> to vector<16xf32>
        %mul3A_324 = arith.constant 11.3137083 : f32
        %mul3A_325 = vector.broadcast %mul3A_324 : f32 to vector<16xf32>
        %mul3A_326 = arith.mulf %get3A_323, %mul3A_325 : vector<16xf32>
        %swap3A_327 = arith.index_cast %scan3A_261 : i32 to index
        %swap3A_328 = arith.constant 80 : index
        %swap3A_329 = tpu.vector_load %arg16[%swap3A_327, %swap3A_328] {strides = array<i32>} : memref<64x128xf32, #tpu.memory_space<vmem>>, vector<1x16xf32>,
        %swap3A_330 = vector.shape_cast %swap3A_329 : vector<1x16xf32> to vector<16xf32>
        %swap3A_331 = vector.shape_cast %mul3A_326 : vector<16xf32> to vector<1x16xf32>
        tpu.vector_store %arg16[%swap3A_327, %swap3A_328], %swap3A_331 {strides = array<i32>} : memref<64x128xf32, #tpu.memory_space<vmem>>, vector<1x16xf32>,
        %get3A_332 = arith.index_cast %scan3A_261 : i32 to index
        %get3A_333 = arith.constant 96 : index
        %get3A_334 = tpu.vector_load %arg11[%get3A_332, %get3A_333] {strides = array<i32>} : memref<64x128xf32, #tpu.memory_space<vmem>>, vector<1x16xf32>,
        %get3A_335 = vector.shape_cast %get3A_334 : vector<1x16xf32> to vector<16xf32>
        %mul3A_336 = arith.constant 11.3137083 : f32
        %mul3A_337 = vector.broadcast %mul3A_336 : f32 to vector<16xf32>
        %mul3A_338 = arith.mulf %get3A_335, %mul3A_337 : vector<16xf32>
        %swap3A_339 = arith.index_cast %scan3A_261 : i32 to index
        %swap3A_340 = arith.constant 96 : index
        %swap3A_341 = tpu.vector_load %arg16[%swap3A_339, %swap3A_340] {strides = array<i32>} : memref<64x128xf32, #tpu.memory_space<vmem>>, vector<1x16xf32>,
        %swap3A_342 = vector.shape_cast %swap3A_341 : vector<1x16xf32> to vector<16xf32>
        %swap3A_343 = vector.shape_cast %mul3A_338 : vector<16xf32> to vector<1x16xf32>
        tpu.vector_store %arg16[%swap3A_339, %swap3A_340], %swap3A_343 {strides = array<i32>} : memref<64x128xf32, #tpu.memory_space<vmem>>, vector<1x16xf32>,
        %get3A_344 = arith.index_cast %scan3A_261 : i32 to index
        %get3A_345 = arith.constant 112 : index
        %get3A_346 = tpu.vector_load %arg11[%get3A_344, %get3A_345] {strides = array<i32>} : memref<64x128xf32, #tpu.memory_space<vmem>>, vector<1x16xf32>,
        %get3A_347 = vector.shape_cast %get3A_346 : vector<1x16xf32> to vector<16xf32>
        %mul3A_348 = arith.constant 11.3137083 : f32
        %mul3A_349 = vector.broadcast %mul3A_348 : f32 to vector<16xf32>
        %mul3A_350 = arith.mulf %get3A_347, %mul3A_349 : vector<16xf32>
        %swap3A_351 = arith.index_cast %scan3A_261 : i32 to index
        %swap3A_352 = arith.constant 112 : index
        %swap3A_353 = tpu.vector_load %arg16[%swap3A_351, %swap3A_352] {strides = array<i32>} : memref<64x128xf32, #tpu.memory_space<vmem>>, vector<1x16xf32>,
        %swap3A_354 = vector.shape_cast %swap3A_353 : vector<1x16xf32> to vector<16xf32>
        %swap3A_355 = vector.shape_cast %mul3A_350 : vector<16xf32> to vector<1x16xf32>
        tpu.vector_store %arg16[%swap3A_351, %swap3A_352], %swap3A_355 {strides = array<i32>} : memref<64x128xf32, #tpu.memory_space<vmem>>, vector<1x16xf32>,
      }
      %scan3A_114 = arith.constant 64 : i32
      %mul3A_115 = arith.constant 64 : i32
      %mul3A_116 = arith.muli %add3A_100, %mul3A_115 : i32
      %add3A_117 = arith.addi %mul3A_2, %mul3A_116 : i32
      %dma_start3A_118 = arith.constant 0 : i32
      %dma_start3A_119 = tpu.memref_slice %arg4[%add3A_117, %dma_start3A_118] : memref<204800x128xf32, #tpu.memory_space<hbm>> -> memref<64x128xf32, #tpu.memory_space<hbm>>
      %dma_start3A_120 = arith.constant 0 : i32
      %dma_start3A_121 = tpu.memref_slice %arg4[%add3A_117, %dma_start3A_120] : memref<204800x128xf32, #tpu.memory_space<hbm>> -> memref<64x128xf32, #tpu.memory_space<hbm>>
      tpu.enqueue_dma source(%arg16 : memref<64x128xf32, #tpu.memory_space<vmem>>) target(%dma_start3A_121 : memref<64x128xf32, #tpu.memory_space<hbm>>) target_semaphore(%arg31 : memref<!tpu.dma_semaphore, #tpu.memory_space<semaphore_mem>>)
      %add3A_122 = arith.constant 5 : i32
      %add3A_123 = arith.addi %add3A_100, %add3A_122 : i32
      %lt3A_124 = arith.constant 100 : i32
      %lt3A_125 = arith.cmpi slt, %add3A_123, %lt3A_124 : i32
      %convert_element_type3A_126 = arith.extui %lt3A_125 : i1 to i32
      %cond3A_127 = arith.constant 0 : i32
      %cond3A_128 = arith.cmpi ne, %convert_element_type3A_126, %cond3A_127 : i32
      scf.if %cond3A_128 {
        %add3A_261 = arith.constant 5 : i32
        %add3A_262 = arith.addi %add3A_100, %add3A_261 : i32
        %mul3A_263 = arith.constant 64 : i32
        %mul3A_264 = arith.muli %add3A_262, %mul3A_263 : i32
        %add3A_265 = arith.addi %mul3A_2, %mul3A_264 : i32
        %dma_start3A_266 = tpu.memref_slice %arg2[%add3A_265] : memref<204800xi32, #tpu.memory_space<hbm>> -> memref<64xi32, #tpu.memory_space<hbm>>
        %dma_start3A_267 = tpu.memref_slice %arg2[%add3A_265] : memref<204800xi32, #tpu.memory_space<hbm>> -> memref<64xi32, #tpu.memory_space<hbm>>
        tpu.enqueue_dma source(%dma_start3A_267 : memref<64xi32, #tpu.memory_space<hbm>>) target(%arg6 : memref<64xi32, #tpu.memory_space<vmem>>) target_semaphore(%arg21 : memref<!tpu.dma_semaphore, #tpu.memory_space<semaphore_mem>>)
      } else {
      }
      %add3A_129 = arith.constant 5 : i32
      %add3A_130 = arith.addi %add3A_100, %add3A_129 : i32
      %sub3A_131 = arith.constant 1 : i32
      %sub3A_132 = arith.subi %add3A_130, %sub3A_131 : i32
      %lt3A_133 = arith.constant 100 : i32
      %lt3A_134 = arith.cmpi slt, %sub3A_132, %lt3A_133 : i32
      %convert_element_type3A_135 = arith.extui %lt3A_134 : i1 to i32
      %cond3A_136 = arith.constant 0 : i32
      %cond3A_137 = arith.cmpi ne, %convert_element_type3A_135, %cond3A_136 : i32
      scf.if %cond3A_137 {
        %add3A_261 = arith.constant 5 : i32
        %add3A_262 = arith.addi %add3A_100, %add3A_261 : i32
        %sub3A_263 = arith.constant 1 : i32
        %sub3A_264 = arith.subi %add3A_262, %sub3A_263 : i32
        %mul3A_265 = arith.constant 64 : i32
        %mul3A_266 = arith.muli %sub3A_264, %mul3A_265 : i32
        %add3A_267 = arith.addi %mul3A_2, %mul3A_266 : i32
        %dma_wait3A_268 = tpu.memref_slice %arg2[%add3A_267] : memref<204800xi32, #tpu.memory_space<hbm>> -> memref<64xi32, #tpu.memory_space<hbm>>
        %dma_wait3A_269 = tpu.memref_slice %arg2[%add3A_267] : memref<204800xi32, #tpu.memory_space<hbm>> -> memref<64xi32, #tpu.memory_space<hbm>>
        tpu.wait_dma2 semaphore(%arg20 : memref<!tpu.dma_semaphore, #tpu.memory_space<semaphore_mem>>) src(%dma_wait3A_269 : memref<64xi32, #tpu.memory_space<hbm>>) dst(%arg5 : memref<64xi32, #tpu.memory_space<vmem>>)
        %dma_start3A_270 = arith.constant 0 : i32
        %dma_start3A_271 = arith.constant 0 : i32
        %dma_start3A_272 = tpu.memref_slice %arg3[%dma_start3A_270, %dma_start3A_271] : memref<1000000x128xf32, #tpu.memory_space<hbm>> -> memref<1000000x128xf32, #tpu.memory_space<hbm>>
        tpu.enqueue_indirect_dma source(%dma_start3A_272 : memref<1000000x128xf32, #tpu.memory_space<hbm>>) target(%arg10 : memref<64x128xf32, #tpu.memory_space<vmem>>) offsets(%arg5 : memref<64xi32, #tpu.memory_space<vmem>>) semaphore(%arg25 : memref<!tpu.dma_semaphore, #tpu.memory_space<semaphore_mem>>)
      } else {
      }
      %mul3A_138 = arith.constant 5 : i32
      %mul3A_139 = arith.muli %mul3A_138, %scan3A_60 : i32
      %add3A_140 = arith.constant 2 : i32
      %add3A_141 = arith.addi %mul3A_139, %add3A_140 : i32
      %dma_wait3A_142 = arith.constant 0 : i32
      %dma_wait3A_143 = arith.constant 0 : i32
      %dma_wait3A_144 = tpu.memref_slice %arg3[%dma_wait3A_142, %dma_wait3A_143] : memref<1000000x128xf32, #tpu.memory_space<hbm>> -> memref<1000000x128xf32, #tpu.memory_space<hbm>>
      tpu.wait_indirect_dma semaphore(%arg27 : memref<!tpu.dma_semaphore, #tpu.memory_space<semaphore_mem>>) src(%dma_wait3A_144 : memref<1000000x128xf32, #tpu.memory_space<hbm>>) dst(%arg12 : memref<64x128xf32, #tpu.memory_space<vmem>>)
      %ge3A_145 = arith.constant 5 : i32
      %ge3A_146 = arith.cmpi sge, %add3A_141, %ge3A_145 : i32
      %convert_element_type3A_147 = arith.extui %ge3A_146 : i1 to i32
      %cond3A_148 = arith.constant 0 : i32
      %cond3A_149 = arith.cmpi ne, %convert_element_type3A_147, %cond3A_148 : i32
      scf.if %cond3A_149 {
        %sub3A_261 = arith.constant 5 : i32
        %sub3A_262 = arith.subi %add3A_141, %sub3A_261 : i32
        %mul3A_263 = arith.constant 64 : i32
        %mul3A_264 = arith.muli %sub3A_262, %mul3A_263 : i32
        %add3A_265 = arith.addi %mul3A_2, %mul3A_264 : i32
        %dma_wait3A_266 = arith.constant 0 : i32
        %dma_wait3A_267 = tpu.memref_slice %arg4[%add3A_265, %dma_wait3A_266] : memref<204800x128xf32, #tpu.memory_space<hbm>> -> memref<64x128xf32, #tpu.memory_space<hbm>>
        %dma_wait3A_268 = arith.constant 0 : i32
        %dma_wait3A_269 = tpu.memref_slice %arg4[%add3A_265, %dma_wait3A_268] : memref<204800x128xf32, #tpu.memory_space<hbm>> -> memref<64x128xf32, #tpu.memory_space<hbm>>
        tpu.wait_dma2 semaphore(%arg32 : memref<!tpu.dma_semaphore, #tpu.memory_space<semaphore_mem>>) src(%arg17 : memref<64x128xf32, #tpu.memory_space<vmem>>) dst(%dma_wait3A_269 : memref<64x128xf32, #tpu.memory_space<hbm>>)
      } else {
      }
      %scan3A_150 = arith.constant 0 : i32
      %scan3A_151 = arith.constant 0 : i32
      %scan3A_152 = arith.constant 64 : i32
      %scan3A_153 = arith.addi %scan3A_151, %scan3A_152 : i32
      %scan3A_154 = arith.constant 1 : i32
      scf.for %scan3A_261 = %scan3A_151 to %scan3A_153 step %scan3A_154  : i32 {
        %get3A = arith.index_cast %scan3A_261 : i32 to index
        %get3A_262 = arith.constant 0 : index
        %get3A_263 = tpu.vector_load %arg12[%get3A, %get3A_262] {strides = array<i32>} : memref<64x128xf32, #tpu.memory_space<vmem>>, vector<1x16xf32>,
        %get3A_264 = vector.shape_cast %get3A_263 : vector<1x16xf32> to vector<16xf32>
        %mul3A_265 = arith.constant 11.3137083 : f32
        %mul3A_266 = vector.broadcast %mul3A_265 : f32 to vector<16xf32>
        %mul3A_267 = arith.mulf %get3A_264, %mul3A_266 : vector<16xf32>
        %swap3A = arith.index_cast %scan3A_261 : i32 to index
        %swap3A_268 = arith.constant 0 : index
        %swap3A_269 = tpu.vector_load %arg17[%swap3A, %swap3A_268] {strides = array<i32>} : memref<64x128xf32, #tpu.memory_space<vmem>>, vector<1x16xf32>,
        %swap3A_270 = vector.shape_cast %swap3A_269 : vector<1x16xf32> to vector<16xf32>
        %swap3A_271 = vector.shape_cast %mul3A_267 : vector<16xf32> to vector<1x16xf32>
        tpu.vector_store %arg17[%swap3A, %swap3A_268], %swap3A_271 {strides = array<i32>} : memref<64x128xf32, #tpu.memory_space<vmem>>, vector<1x16xf32>,
        %get3A_272 = arith.index_cast %scan3A_261 : i32 to index
        %get3A_273 = arith.constant 16 : index
        %get3A_274 = tpu.vector_load %arg12[%get3A_272, %get3A_273] {strides = array<i32>} : memref<64x128xf32, #tpu.memory_space<vmem>>, vector<1x16xf32>,
        %get3A_275 = vector.shape_cast %get3A_274 : vector<1x16xf32> to vector<16xf32>
        %mul3A_276 = arith.constant 11.3137083 : f32
        %mul3A_277 = vector.broadcast %mul3A_276 : f32 to vector<16xf32>
        %mul3A_278 = arith.mulf %get3A_275, %mul3A_277 : vector<16xf32>
        %swap3A_279 = arith.index_cast %scan3A_261 : i32 to index
        %swap3A_280 = arith.constant 16 : index
        %swap3A_281 = tpu.vector_load %arg17[%swap3A_279, %swap3A_280] {strides = array<i32>} : memref<64x128xf32, #tpu.memory_space<vmem>>, vector<1x16xf32>,
        %swap3A_282 = vector.shape_cast %swap3A_281 : vector<1x16xf32> to vector<16xf32>
        %swap3A_283 = vector.shape_cast %mul3A_278 : vector<16xf32> to vector<1x16xf32>
        tpu.vector_store %arg17[%swap3A_279, %swap3A_280], %swap3A_283 {strides = array<i32>} : memref<64x128xf32, #tpu.memory_space<vmem>>, vector<1x16xf32>,
        %get3A_284 = arith.index_cast %scan3A_261 : i32 to index
        %get3A_285 = arith.constant 32 : index
        %get3A_286 = tpu.vector_load %arg12[%get3A_284, %get3A_285] {strides = array<i32>} : memref<64x128xf32, #tpu.memory_space<vmem>>, vector<1x16xf32>,
        %get3A_287 = vector.shape_cast %get3A_286 : vector<1x16xf32> to vector<16xf32>
        %mul3A_288 = arith.constant 11.3137083 : f32
        %mul3A_289 = vector.broadcast %mul3A_288 : f32 to vector<16xf32>
        %mul3A_290 = arith.mulf %get3A_287, %mul3A_289 : vector<16xf32>
        %swap3A_291 = arith.index_cast %scan3A_261 : i32 to index
        %swap3A_292 = arith.constant 32 : index
        %swap3A_293 = tpu.vector_load %arg17[%swap3A_291, %swap3A_292] {strides = array<i32>} : memref<64x128xf32, #tpu.memory_space<vmem>>, vector<1x16xf32>,
        %swap3A_294 = vector.shape_cast %swap3A_293 : vector<1x16xf32> to vector<16xf32>
        %swap3A_295 = vector.shape_cast %mul3A_290 : vector<16xf32> to vector<1x16xf32>
        tpu.vector_store %arg17[%swap3A_291, %swap3A_292], %swap3A_295 {strides = array<i32>} : memref<64x128xf32, #tpu.memory_space<vmem>>, vector<1x16xf32>,
        %get3A_296 = arith.index_cast %scan3A_261 : i32 to index
        %get3A_297 = arith.constant 48 : index
        %get3A_298 = tpu.vector_load %arg12[%get3A_296, %get3A_297] {strides = array<i32>} : memref<64x128xf32, #tpu.memory_space<vmem>>, vector<1x16xf32>,
        %get3A_299 = vector.shape_cast %get3A_298 : vector<1x16xf32> to vector<16xf32>
        %mul3A_300 = arith.constant 11.3137083 : f32
        %mul3A_301 = vector.broadcast %mul3A_300 : f32 to vector<16xf32>
        %mul3A_302 = arith.mulf %get3A_299, %mul3A_301 : vector<16xf32>
        %swap3A_303 = arith.index_cast %scan3A_261 : i32 to index
        %swap3A_304 = arith.constant 48 : index
        %swap3A_305 = tpu.vector_load %arg17[%swap3A_303, %swap3A_304] {strides = array<i32>} : memref<64x128xf32, #tpu.memory_space<vmem>>, vector<1x16xf32>,
        %swap3A_306 = vector.shape_cast %swap3A_305 : vector<1x16xf32> to vector<16xf32>
        %swap3A_307 = vector.shape_cast %mul3A_302 : vector<16xf32> to vector<1x16xf32>
        tpu.vector_store %arg17[%swap3A_303, %swap3A_304], %swap3A_307 {strides = array<i32>} : memref<64x128xf32, #tpu.memory_space<vmem>>, vector<1x16xf32>,
        %get3A_308 = arith.index_cast %scan3A_261 : i32 to index
        %get3A_309 = arith.constant 64 : index
        %get3A_310 = tpu.vector_load %arg12[%get3A_308, %get3A_309] {strides = array<i32>} : memref<64x128xf32, #tpu.memory_space<vmem>>, vector<1x16xf32>,
        %get3A_311 = vector.shape_cast %get3A_310 : vector<1x16xf32> to vector<16xf32>
        %mul3A_312 = arith.constant 11.3137083 : f32
        %mul3A_313 = vector.broadcast %mul3A_312 : f32 to vector<16xf32>
        %mul3A_314 = arith.mulf %get3A_311, %mul3A_313 : vector<16xf32>
        %swap3A_315 = arith.index_cast %scan3A_261 : i32 to index
        %swap3A_316 = arith.constant 64 : index
        %swap3A_317 = tpu.vector_load %arg17[%swap3A_315, %swap3A_316] {strides = array<i32>} : memref<64x128xf32, #tpu.memory_space<vmem>>, vector<1x16xf32>,
        %swap3A_318 = vector.shape_cast %swap3A_317 : vector<1x16xf32> to vector<16xf32>
        %swap3A_319 = vector.shape_cast %mul3A_314 : vector<16xf32> to vector<1x16xf32>
        tpu.vector_store %arg17[%swap3A_315, %swap3A_316], %swap3A_319 {strides = array<i32>} : memref<64x128xf32, #tpu.memory_space<vmem>>, vector<1x16xf32>,
        %get3A_320 = arith.index_cast %scan3A_261 : i32 to index
        %get3A_321 = arith.constant 80 : index
        %get3A_322 = tpu.vector_load %arg12[%get3A_320, %get3A_321] {strides = array<i32>} : memref<64x128xf32, #tpu.memory_space<vmem>>, vector<1x16xf32>,
        %get3A_323 = vector.shape_cast %get3A_322 : vector<1x16xf32> to vector<16xf32>
        %mul3A_324 = arith.constant 11.3137083 : f32
        %mul3A_325 = vector.broadcast %mul3A_324 : f32 to vector<16xf32>
        %mul3A_326 = arith.mulf %get3A_323, %mul3A_325 : vector<16xf32>
        %swap3A_327 = arith.index_cast %scan3A_261 : i32 to index
        %swap3A_328 = arith.constant 80 : index
        %swap3A_329 = tpu.vector_load %arg17[%swap3A_327, %swap3A_328] {strides = array<i32>} : memref<64x128xf32, #tpu.memory_space<vmem>>, vector<1x16xf32>,
        %swap3A_330 = vector.shape_cast %swap3A_329 : vector<1x16xf32> to vector<16xf32>
        %swap3A_331 = vector.shape_cast %mul3A_326 : vector<16xf32> to vector<1x16xf32>
        tpu.vector_store %arg17[%swap3A_327, %swap3A_328], %swap3A_331 {strides = array<i32>} : memref<64x128xf32, #tpu.memory_space<vmem>>, vector<1x16xf32>,
        %get3A_332 = arith.index_cast %scan3A_261 : i32 to index
        %get3A_333 = arith.constant 96 : index
        %get3A_334 = tpu.vector_load %arg12[%get3A_332, %get3A_333] {strides = array<i32>} : memref<64x128xf32, #tpu.memory_space<vmem>>, vector<1x16xf32>,
        %get3A_335 = vector.shape_cast %get3A_334 : vector<1x16xf32> to vector<16xf32>
        %mul3A_336 = arith.constant 11.3137083 : f32
        %mul3A_337 = vector.broadcast %mul3A_336 : f32 to vector<16xf32>
        %mul3A_338 = arith.mulf %get3A_335, %mul3A_337 : vector<16xf32>
        %swap3A_339 = arith.index_cast %scan3A_261 : i32 to index
        %swap3A_340 = arith.constant 96 : index
        %swap3A_341 = tpu.vector_load %arg17[%swap3A_339, %swap3A_340] {strides = array<i32>} : memref<64x128xf32, #tpu.memory_space<vmem>>, vector<1x16xf32>,
        %swap3A_342 = vector.shape_cast %swap3A_341 : vector<1x16xf32> to vector<16xf32>
        %swap3A_343 = vector.shape_cast %mul3A_338 : vector<16xf32> to vector<1x16xf32>
        tpu.vector_store %arg17[%swap3A_339, %swap3A_340], %swap3A_343 {strides = array<i32>} : memref<64x128xf32, #tpu.memory_space<vmem>>, vector<1x16xf32>,
        %get3A_344 = arith.index_cast %scan3A_261 : i32 to index
        %get3A_345 = arith.constant 112 : index
        %get3A_346 = tpu.vector_load %arg12[%get3A_344, %get3A_345] {strides = array<i32>} : memref<64x128xf32, #tpu.memory_space<vmem>>, vector<1x16xf32>,
        %get3A_347 = vector.shape_cast %get3A_346 : vector<1x16xf32> to vector<16xf32>
        %mul3A_348 = arith.constant 11.3137083 : f32
        %mul3A_349 = vector.broadcast %mul3A_348 : f32 to vector<16xf32>
        %mul3A_350 = arith.mulf %get3A_347, %mul3A_349 : vector<16xf32>
        %swap3A_351 = arith.index_cast %scan3A_261 : i32 to index
        %swap3A_352 = arith.constant 112 : index
        %swap3A_353 = tpu.vector_load %arg17[%swap3A_351, %swap3A_352] {strides = array<i32>} : memref<64x128xf32, #tpu.memory_space<vmem>>, vector<1x16xf32>,
        %swap3A_354 = vector.shape_cast %swap3A_353 : vector<1x16xf32> to vector<16xf32>
        %swap3A_355 = vector.shape_cast %mul3A_350 : vector<16xf32> to vector<1x16xf32>
        tpu.vector_store %arg17[%swap3A_351, %swap3A_352], %swap3A_355 {strides = array<i32>} : memref<64x128xf32, #tpu.memory_space<vmem>>, vector<1x16xf32>,
      }
      %scan3A_155 = arith.constant 64 : i32
      %mul3A_156 = arith.constant 64 : i32
      %mul3A_157 = arith.muli %add3A_141, %mul3A_156 : i32
      %add3A_158 = arith.addi %mul3A_2, %mul3A_157 : i32
      %dma_start3A_159 = arith.constant 0 : i32
      %dma_start3A_160 = tpu.memref_slice %arg4[%add3A_158, %dma_start3A_159] : memref<204800x128xf32, #tpu.memory_space<hbm>> -> memref<64x128xf32, #tpu.memory_space<hbm>>
      %dma_start3A_161 = arith.constant 0 : i32
      %dma_start3A_162 = tpu.memref_slice %arg4[%add3A_158, %dma_start3A_161] : memref<204800x128xf32, #tpu.memory_space<hbm>> -> memref<64x128xf32, #tpu.memory_space<hbm>>
      tpu.enqueue_dma source(%arg17 : memref<64x128xf32, #tpu.memory_space<vmem>>) target(%dma_start3A_162 : memref<64x128xf32, #tpu.memory_space<hbm>>) target_semaphore(%arg32 : memref<!tpu.dma_semaphore, #tpu.memory_space<semaphore_mem>>)
      %add3A_163 = arith.constant 5 : i32
      %add3A_164 = arith.addi %add3A_141, %add3A_163 : i32
      %lt3A_165 = arith.constant 100 : i32
      %lt3A_166 = arith.cmpi slt, %add3A_164, %lt3A_165 : i32
      %convert_element_type3A_167 = arith.extui %lt3A_166 : i1 to i32
      %cond3A_168 = arith.constant 0 : i32
      %cond3A_169 = arith.cmpi ne, %convert_element_type3A_167, %cond3A_168 : i32
      scf.if %cond3A_169 {
        %add3A_261 = arith.constant 5 : i32
        %add3A_262 = arith.addi %add3A_141, %add3A_261 : i32
        %mul3A_263 = arith.constant 64 : i32
        %mul3A_264 = arith.muli %add3A_262, %mul3A_263 : i32
        %add3A_265 = arith.addi %mul3A_2, %mul3A_264 : i32
        %dma_start3A_266 = tpu.memref_slice %arg2[%add3A_265] : memref<204800xi32, #tpu.memory_space<hbm>> -> memref<64xi32, #tpu.memory_space<hbm>>
        %dma_start3A_267 = tpu.memref_slice %arg2[%add3A_265] : memref<204800xi32, #tpu.memory_space<hbm>> -> memref<64xi32, #tpu.memory_space<hbm>>
        tpu.enqueue_dma source(%dma_start3A_267 : memref<64xi32, #tpu.memory_space<hbm>>) target(%arg7 : memref<64xi32, #tpu.memory_space<vmem>>) target_semaphore(%arg22 : memref<!tpu.dma_semaphore, #tpu.memory_space<semaphore_mem>>)
      } else {
      }
      %add3A_170 = arith.constant 5 : i32
      %add3A_171 = arith.addi %add3A_141, %add3A_170 : i32
      %sub3A_172 = arith.constant 1 : i32
      %sub3A_173 = arith.subi %add3A_171, %sub3A_172 : i32
      %lt3A_174 = arith.constant 100 : i32
      %lt3A_175 = arith.cmpi slt, %sub3A_173, %lt3A_174 : i32
      %convert_element_type3A_176 = arith.extui %lt3A_175 : i1 to i32
      %cond3A_177 = arith.constant 0 : i32
      %cond3A_178 = arith.cmpi ne, %convert_element_type3A_176, %cond3A_177 : i32
      scf.if %cond3A_178 {
        %add3A_261 = arith.constant 5 : i32
        %add3A_262 = arith.addi %add3A_141, %add3A_261 : i32
        %sub3A_263 = arith.constant 1 : i32
        %sub3A_264 = arith.subi %add3A_262, %sub3A_263 : i32
        %mul3A_265 = arith.constant 64 : i32
        %mul3A_266 = arith.muli %sub3A_264, %mul3A_265 : i32
        %add3A_267 = arith.addi %mul3A_2, %mul3A_266 : i32
        %dma_wait3A_268 = tpu.memref_slice %arg2[%add3A_267] : memref<204800xi32, #tpu.memory_space<hbm>> -> memref<64xi32, #tpu.memory_space<hbm>>
        %dma_wait3A_269 = tpu.memref_slice %arg2[%add3A_267] : memref<204800xi32, #tpu.memory_space<hbm>> -> memref<64xi32, #tpu.memory_space<hbm>>
        tpu.wait_dma2 semaphore(%arg21 : memref<!tpu.dma_semaphore, #tpu.memory_space<semaphore_mem>>) src(%dma_wait3A_269 : memref<64xi32, #tpu.memory_space<hbm>>) dst(%arg6 : memref<64xi32, #tpu.memory_space<vmem>>)
        %dma_start3A_270 = arith.constant 0 : i32
        %dma_start3A_271 = arith.constant 0 : i32
        %dma_start3A_272 = tpu.memref_slice %arg3[%dma_start3A_270, %dma_start3A_271] : memref<1000000x128xf32, #tpu.memory_space<hbm>> -> memref<1000000x128xf32, #tpu.memory_space<hbm>>
        tpu.enqueue_indirect_dma source(%dma_start3A_272 : memref<1000000x128xf32, #tpu.memory_space<hbm>>) target(%arg11 : memref<64x128xf32, #tpu.memory_space<vmem>>) offsets(%arg6 : memref<64xi32, #tpu.memory_space<vmem>>) semaphore(%arg26 : memref<!tpu.dma_semaphore, #tpu.memory_space<semaphore_mem>>)
      } else {
      }
      %mul3A_179 = arith.constant 5 : i32
      %mul3A_180 = arith.muli %mul3A_179, %scan3A_60 : i32
      %add3A_181 = arith.constant 3 : i32
      %add3A_182 = arith.addi %mul3A_180, %add3A_181 : i32
      %dma_wait3A_183 = arith.constant 0 : i32
      %dma_wait3A_184 = arith.constant 0 : i32
      %dma_wait3A_185 = tpu.memref_slice %arg3[%dma_wait3A_183, %dma_wait3A_184] : memref<1000000x128xf32, #tpu.memory_space<hbm>> -> memref<1000000x128xf32, #tpu.memory_space<hbm>>
      tpu.wait_indirect_dma semaphore(%arg28 : memref<!tpu.dma_semaphore, #tpu.memory_space<semaphore_mem>>) src(%dma_wait3A_185 : memref<1000000x128xf32, #tpu.memory_space<hbm>>) dst(%arg13 : memref<64x128xf32, #tpu.memory_space<vmem>>)
      %ge3A_186 = arith.constant 5 : i32
      %ge3A_187 = arith.cmpi sge, %add3A_182, %ge3A_186 : i32
      %convert_element_type3A_188 = arith.extui %ge3A_187 : i1 to i32
      %cond3A_189 = arith.constant 0 : i32
      %cond3A_190 = arith.cmpi ne, %convert_element_type3A_188, %cond3A_189 : i32
      scf.if %cond3A_190 {
        %sub3A_261 = arith.constant 5 : i32
        %sub3A_262 = arith.subi %add3A_182, %sub3A_261 : i32
        %mul3A_263 = arith.constant 64 : i32
        %mul3A_264 = arith.muli %sub3A_262, %mul3A_263 : i32
        %add3A_265 = arith.addi %mul3A_2, %mul3A_264 : i32
        %dma_wait3A_266 = arith.constant 0 : i32
        %dma_wait3A_267 = tpu.memref_slice %arg4[%add3A_265, %dma_wait3A_266] : memref<204800x128xf32, #tpu.memory_space<hbm>> -> memref<64x128xf32, #tpu.memory_space<hbm>>
        %dma_wait3A_268 = arith.constant 0 : i32
        %dma_wait3A_269 = tpu.memref_slice %arg4[%add3A_265, %dma_wait3A_268] : memref<204800x128xf32, #tpu.memory_space<hbm>> -> memref<64x128xf32, #tpu.memory_space<hbm>>
        tpu.wait_dma2 semaphore(%arg33 : memref<!tpu.dma_semaphore, #tpu.memory_space<semaphore_mem>>) src(%arg18 : memref<64x128xf32, #tpu.memory_space<vmem>>) dst(%dma_wait3A_269 : memref<64x128xf32, #tpu.memory_space<hbm>>)
      } else {
      }
      %scan3A_191 = arith.constant 0 : i32
      %scan3A_192 = arith.constant 0 : i32
      %scan3A_193 = arith.constant 64 : i32
      %scan3A_194 = arith.addi %scan3A_192, %scan3A_193 : i32
      %scan3A_195 = arith.constant 1 : i32
      scf.for %scan3A_261 = %scan3A_192 to %scan3A_194 step %scan3A_195  : i32 {
        %get3A = arith.index_cast %scan3A_261 : i32 to index
        %get3A_262 = arith.constant 0 : index
        %get3A_263 = tpu.vector_load %arg13[%get3A, %get3A_262] {strides = array<i32>} : memref<64x128xf32, #tpu.memory_space<vmem>>, vector<1x16xf32>,
        %get3A_264 = vector.shape_cast %get3A_263 : vector<1x16xf32> to vector<16xf32>
        %mul3A_265 = arith.constant 11.3137083 : f32
        %mul3A_266 = vector.broadcast %mul3A_265 : f32 to vector<16xf32>
        %mul3A_267 = arith.mulf %get3A_264, %mul3A_266 : vector<16xf32>
        %swap3A = arith.index_cast %scan3A_261 : i32 to index
        %swap3A_268 = arith.constant 0 : index
        %swap3A_269 = tpu.vector_load %arg18[%swap3A, %swap3A_268] {strides = array<i32>} : memref<64x128xf32, #tpu.memory_space<vmem>>, vector<1x16xf32>,
        %swap3A_270 = vector.shape_cast %swap3A_269 : vector<1x16xf32> to vector<16xf32>
        %swap3A_271 = vector.shape_cast %mul3A_267 : vector<16xf32> to vector<1x16xf32>
        tpu.vector_store %arg18[%swap3A, %swap3A_268], %swap3A_271 {strides = array<i32>} : memref<64x128xf32, #tpu.memory_space<vmem>>, vector<1x16xf32>,
        %get3A_272 = arith.index_cast %scan3A_261 : i32 to index
        %get3A_273 = arith.constant 16 : index
        %get3A_274 = tpu.vector_load %arg13[%get3A_272, %get3A_273] {strides = array<i32>} : memref<64x128xf32, #tpu.memory_space<vmem>>, vector<1x16xf32>,
        %get3A_275 = vector.shape_cast %get3A_274 : vector<1x16xf32> to vector<16xf32>
        %mul3A_276 = arith.constant 11.3137083 : f32
        %mul3A_277 = vector.broadcast %mul3A_276 : f32 to vector<16xf32>
        %mul3A_278 = arith.mulf %get3A_275, %mul3A_277 : vector<16xf32>
        %swap3A_279 = arith.index_cast %scan3A_261 : i32 to index
        %swap3A_280 = arith.constant 16 : index
        %swap3A_281 = tpu.vector_load %arg18[%swap3A_279, %swap3A_280] {strides = array<i32>} : memref<64x128xf32, #tpu.memory_space<vmem>>, vector<1x16xf32>,
        %swap3A_282 = vector.shape_cast %swap3A_281 : vector<1x16xf32> to vector<16xf32>
        %swap3A_283 = vector.shape_cast %mul3A_278 : vector<16xf32> to vector<1x16xf32>
        tpu.vector_store %arg18[%swap3A_279, %swap3A_280], %swap3A_283 {strides = array<i32>} : memref<64x128xf32, #tpu.memory_space<vmem>>, vector<1x16xf32>,
        %get3A_284 = arith.index_cast %scan3A_261 : i32 to index
        %get3A_285 = arith.constant 32 : index
        %get3A_286 = tpu.vector_load %arg13[%get3A_284, %get3A_285] {strides = array<i32>} : memref<64x128xf32, #tpu.memory_space<vmem>>, vector<1x16xf32>,
        %get3A_287 = vector.shape_cast %get3A_286 : vector<1x16xf32> to vector<16xf32>
        %mul3A_288 = arith.constant 11.3137083 : f32
        %mul3A_289 = vector.broadcast %mul3A_288 : f32 to vector<16xf32>
        %mul3A_290 = arith.mulf %get3A_287, %mul3A_289 : vector<16xf32>
        %swap3A_291 = arith.index_cast %scan3A_261 : i32 to index
        %swap3A_292 = arith.constant 32 : index
        %swap3A_293 = tpu.vector_load %arg18[%swap3A_291, %swap3A_292] {strides = array<i32>} : memref<64x128xf32, #tpu.memory_space<vmem>>, vector<1x16xf32>,
        %swap3A_294 = vector.shape_cast %swap3A_293 : vector<1x16xf32> to vector<16xf32>
        %swap3A_295 = vector.shape_cast %mul3A_290 : vector<16xf32> to vector<1x16xf32>
        tpu.vector_store %arg18[%swap3A_291, %swap3A_292], %swap3A_295 {strides = array<i32>} : memref<64x128xf32, #tpu.memory_space<vmem>>, vector<1x16xf32>,
        %get3A_296 = arith.index_cast %scan3A_261 : i32 to index
        %get3A_297 = arith.constant 48 : index
        %get3A_298 = tpu.vector_load %arg13[%get3A_296, %get3A_297] {strides = array<i32>} : memref<64x128xf32, #tpu.memory_space<vmem>>, vector<1x16xf32>,
        %get3A_299 = vector.shape_cast %get3A_298 : vector<1x16xf32> to vector<16xf32>
        %mul3A_300 = arith.constant 11.3137083 : f32
        %mul3A_301 = vector.broadcast %mul3A_300 : f32 to vector<16xf32>
        %mul3A_302 = arith.mulf %get3A_299, %mul3A_301 : vector<16xf32>
        %swap3A_303 = arith.index_cast %scan3A_261 : i32 to index
        %swap3A_304 = arith.constant 48 : index
        %swap3A_305 = tpu.vector_load %arg18[%swap3A_303, %swap3A_304] {strides = array<i32>} : memref<64x128xf32, #tpu.memory_space<vmem>>, vector<1x16xf32>,
        %swap3A_306 = vector.shape_cast %swap3A_305 : vector<1x16xf32> to vector<16xf32>
        %swap3A_307 = vector.shape_cast %mul3A_302 : vector<16xf32> to vector<1x16xf32>
        tpu.vector_store %arg18[%swap3A_303, %swap3A_304], %swap3A_307 {strides = array<i32>} : memref<64x128xf32, #tpu.memory_space<vmem>>, vector<1x16xf32>,
        %get3A_308 = arith.index_cast %scan3A_261 : i32 to index
        %get3A_309 = arith.constant 64 : index
        %get3A_310 = tpu.vector_load %arg13[%get3A_308, %get3A_309] {strides = array<i32>} : memref<64x128xf32, #tpu.memory_space<vmem>>, vector<1x16xf32>,
        %get3A_311 = vector.shape_cast %get3A_310 : vector<1x16xf32> to vector<16xf32>
        %mul3A_312 = arith.constant 11.3137083 : f32
        %mul3A_313 = vector.broadcast %mul3A_312 : f32 to vector<16xf32>
        %mul3A_314 = arith.mulf %get3A_311, %mul3A_313 : vector<16xf32>
        %swap3A_315 = arith.index_cast %scan3A_261 : i32 to index
        %swap3A_316 = arith.constant 64 : index
        %swap3A_317 = tpu.vector_load %arg18[%swap3A_315, %swap3A_316] {strides = array<i32>} : memref<64x128xf32, #tpu.memory_space<vmem>>, vector<1x16xf32>,
        %swap3A_318 = vector.shape_cast %swap3A_317 : vector<1x16xf32> to vector<16xf32>
        %swap3A_319 = vector.shape_cast %mul3A_314 : vector<16xf32> to vector<1x16xf32>
        tpu.vector_store %arg18[%swap3A_315, %swap3A_316], %swap3A_319 {strides = array<i32>} : memref<64x128xf32, #tpu.memory_space<vmem>>, vector<1x16xf32>,
        %get3A_320 = arith.index_cast %scan3A_261 : i32 to index
        %get3A_321 = arith.constant 80 : index
        %get3A_322 = tpu.vector_load %arg13[%get3A_320, %get3A_321] {strides = array<i32>} : memref<64x128xf32, #tpu.memory_space<vmem>>, vector<1x16xf32>,
        %get3A_323 = vector.shape_cast %get3A_322 : vector<1x16xf32> to vector<16xf32>
        %mul3A_324 = arith.constant 11.3137083 : f32
        %mul3A_325 = vector.broadcast %mul3A_324 : f32 to vector<16xf32>
        %mul3A_326 = arith.mulf %get3A_323, %mul3A_325 : vector<16xf32>
        %swap3A_327 = arith.index_cast %scan3A_261 : i32 to index
        %swap3A_328 = arith.constant 80 : index
        %swap3A_329 = tpu.vector_load %arg18[%swap3A_327, %swap3A_328] {strides = array<i32>} : memref<64x128xf32, #tpu.memory_space<vmem>>, vector<1x16xf32>,
        %swap3A_330 = vector.shape_cast %swap3A_329 : vector<1x16xf32> to vector<16xf32>
        %swap3A_331 = vector.shape_cast %mul3A_326 : vector<16xf32> to vector<1x16xf32>
        tpu.vector_store %arg18[%swap3A_327, %swap3A_328], %swap3A_331 {strides = array<i32>} : memref<64x128xf32, #tpu.memory_space<vmem>>, vector<1x16xf32>,
        %get3A_332 = arith.index_cast %scan3A_261 : i32 to index
        %get3A_333 = arith.constant 96 : index
        %get3A_334 = tpu.vector_load %arg13[%get3A_332, %get3A_333] {strides = array<i32>} : memref<64x128xf32, #tpu.memory_space<vmem>>, vector<1x16xf32>,
        %get3A_335 = vector.shape_cast %get3A_334 : vector<1x16xf32> to vector<16xf32>
        %mul3A_336 = arith.constant 11.3137083 : f32
        %mul3A_337 = vector.broadcast %mul3A_336 : f32 to vector<16xf32>
        %mul3A_338 = arith.mulf %get3A_335, %mul3A_337 : vector<16xf32>
        %swap3A_339 = arith.index_cast %scan3A_261 : i32 to index
        %swap3A_340 = arith.constant 96 : index
        %swap3A_341 = tpu.vector_load %arg18[%swap3A_339, %swap3A_340] {strides = array<i32>} : memref<64x128xf32, #tpu.memory_space<vmem>>, vector<1x16xf32>,
        %swap3A_342 = vector.shape_cast %swap3A_341 : vector<1x16xf32> to vector<16xf32>
        %swap3A_343 = vector.shape_cast %mul3A_338 : vector<16xf32> to vector<1x16xf32>
        tpu.vector_store %arg18[%swap3A_339, %swap3A_340], %swap3A_343 {strides = array<i32>} : memref<64x128xf32, #tpu.memory_space<vmem>>, vector<1x16xf32>,
        %get3A_344 = arith.index_cast %scan3A_261 : i32 to index
        %get3A_345 = arith.constant 112 : index
        %get3A_346 = tpu.vector_load %arg13[%get3A_344, %get3A_345] {strides = array<i32>} : memref<64x128xf32, #tpu.memory_space<vmem>>, vector<1x16xf32>,
        %get3A_347 = vector.shape_cast %get3A_346 : vector<1x16xf32> to vector<16xf32>
        %mul3A_348 = arith.constant 11.3137083 : f32
        %mul3A_349 = vector.broadcast %mul3A_348 : f32 to vector<16xf32>
        %mul3A_350 = arith.mulf %get3A_347, %mul3A_349 : vector<16xf32>
        %swap3A_351 = arith.index_cast %scan3A_261 : i32 to index
        %swap3A_352 = arith.constant 112 : index
        %swap3A_353 = tpu.vector_load %arg18[%swap3A_351, %swap3A_352] {strides = array<i32>} : memref<64x128xf32, #tpu.memory_space<vmem>>, vector<1x16xf32>,
        %swap3A_354 = vector.shape_cast %swap3A_353 : vector<1x16xf32> to vector<16xf32>
        %swap3A_355 = vector.shape_cast %mul3A_350 : vector<16xf32> to vector<1x16xf32>
        tpu.vector_store %arg18[%swap3A_351, %swap3A_352], %swap3A_355 {strides = array<i32>} : memref<64x128xf32, #tpu.memory_space<vmem>>, vector<1x16xf32>,
      }
      %scan3A_196 = arith.constant 64 : i32
      %mul3A_197 = arith.constant 64 : i32
      %mul3A_198 = arith.muli %add3A_182, %mul3A_197 : i32
      %add3A_199 = arith.addi %mul3A_2, %mul3A_198 : i32
      %dma_start3A_200 = arith.constant 0 : i32
      %dma_start3A_201 = tpu.memref_slice %arg4[%add3A_199, %dma_start3A_200] : memref<204800x128xf32, #tpu.memory_space<hbm>> -> memref<64x128xf32, #tpu.memory_space<hbm>>
      %dma_start3A_202 = arith.constant 0 : i32
      %dma_start3A_203 = tpu.memref_slice %arg4[%add3A_199, %dma_start3A_202] : memref<204800x128xf32, #tpu.memory_space<hbm>> -> memref<64x128xf32, #tpu.memory_space<hbm>>
      tpu.enqueue_dma source(%arg18 : memref<64x128xf32, #tpu.memory_space<vmem>>) target(%dma_start3A_203 : memref<64x128xf32, #tpu.memory_space<hbm>>) target_semaphore(%arg33 : memref<!tpu.dma_semaphore, #tpu.memory_space<semaphore_mem>>)
      %add3A_204 = arith.constant 5 : i32
      %add3A_205 = arith.addi %add3A_182, %add3A_204 : i32
      %lt3A_206 = arith.constant 100 : i32
      %lt3A_207 = arith.cmpi slt, %add3A_205, %lt3A_206 : i32
      %convert_element_type3A_208 = arith.extui %lt3A_207 : i1 to i32
      %cond3A_209 = arith.constant 0 : i32
      %cond3A_210 = arith.cmpi ne, %convert_element_type3A_208, %cond3A_209 : i32
      scf.if %cond3A_210 {
        %add3A_261 = arith.constant 5 : i32
        %add3A_262 = arith.addi %add3A_182, %add3A_261 : i32
        %mul3A_263 = arith.constant 64 : i32
        %mul3A_264 = arith.muli %add3A_262, %mul3A_263 : i32
        %add3A_265 = arith.addi %mul3A_2, %mul3A_264 : i32
        %dma_start3A_266 = tpu.memref_slice %arg2[%add3A_265] : memref<204800xi32, #tpu.memory_space<hbm>> -> memref<64xi32, #tpu.memory_space<hbm>>
        %dma_start3A_267 = tpu.memref_slice %arg2[%add3A_265] : memref<204800xi32, #tpu.memory_space<hbm>> -> memref<64xi32, #tpu.memory_space<hbm>>
        tpu.enqueue_dma source(%dma_start3A_267 : memref<64xi32, #tpu.memory_space<hbm>>) target(%arg8 : memref<64xi32, #tpu.memory_space<vmem>>) target_semaphore(%arg23 : memref<!tpu.dma_semaphore, #tpu.memory_space<semaphore_mem>>)
      } else {
      }
      %add3A_211 = arith.constant 5 : i32
      %add3A_212 = arith.addi %add3A_182, %add3A_211 : i32
      %sub3A_213 = arith.constant 1 : i32
      %sub3A_214 = arith.subi %add3A_212, %sub3A_213 : i32
      %lt3A_215 = arith.constant 100 : i32
      %lt3A_216 = arith.cmpi slt, %sub3A_214, %lt3A_215 : i32
      %convert_element_type3A_217 = arith.extui %lt3A_216 : i1 to i32
      %cond3A_218 = arith.constant 0 : i32
      %cond3A_219 = arith.cmpi ne, %convert_element_type3A_217, %cond3A_218 : i32
      scf.if %cond3A_219 {
        %add3A_261 = arith.constant 5 : i32
        %add3A_262 = arith.addi %add3A_182, %add3A_261 : i32
        %sub3A_263 = arith.constant 1 : i32
        %sub3A_264 = arith.subi %add3A_262, %sub3A_263 : i32
        %mul3A_265 = arith.constant 64 : i32
        %mul3A_266 = arith.muli %sub3A_264, %mul3A_265 : i32
        %add3A_267 = arith.addi %mul3A_2, %mul3A_266 : i32
        %dma_wait3A_268 = tpu.memref_slice %arg2[%add3A_267] : memref<204800xi32, #tpu.memory_space<hbm>> -> memref<64xi32, #tpu.memory_space<hbm>>
        %dma_wait3A_269 = tpu.memref_slice %arg2[%add3A_267] : memref<204800xi32, #tpu.memory_space<hbm>> -> memref<64xi32, #tpu.memory_space<hbm>>
        tpu.wait_dma2 semaphore(%arg22 : memref<!tpu.dma_semaphore, #tpu.memory_space<semaphore_mem>>) src(%dma_wait3A_269 : memref<64xi32, #tpu.memory_space<hbm>>) dst(%arg7 : memref<64xi32, #tpu.memory_space<vmem>>)
        %dma_start3A_270 = arith.constant 0 : i32
        %dma_start3A_271 = arith.constant 0 : i32
        %dma_start3A_272 = tpu.memref_slice %arg3[%dma_start3A_270, %dma_start3A_271] : memref<1000000x128xf32, #tpu.memory_space<hbm>> -> memref<1000000x128xf32, #tpu.memory_space<hbm>>
        tpu.enqueue_indirect_dma source(%dma_start3A_272 : memref<1000000x128xf32, #tpu.memory_space<hbm>>) target(%arg12 : memref<64x128xf32, #tpu.memory_space<vmem>>) offsets(%arg7 : memref<64xi32, #tpu.memory_space<vmem>>) semaphore(%arg27 : memref<!tpu.dma_semaphore, #tpu.memory_space<semaphore_mem>>)
      } else {
      }
      %mul3A_220 = arith.constant 5 : i32
      %mul3A_221 = arith.muli %mul3A_220, %scan3A_60 : i32
      %add3A_222 = arith.constant 4 : i32
      %add3A_223 = arith.addi %mul3A_221, %add3A_222 : i32
      %dma_wait3A_224 = arith.constant 0 : i32
      %dma_wait3A_225 = arith.constant 0 : i32
      %dma_wait3A_226 = tpu.memref_slice %arg3[%dma_wait3A_224, %dma_wait3A_225] : memref<1000000x128xf32, #tpu.memory_space<hbm>> -> memref<1000000x128xf32, #tpu.memory_space<hbm>>
      tpu.wait_indirect_dma semaphore(%arg29 : memref<!tpu.dma_semaphore, #tpu.memory_space<semaphore_mem>>) src(%dma_wait3A_226 : memref<1000000x128xf32, #tpu.memory_space<hbm>>) dst(%arg14 : memref<64x128xf32, #tpu.memory_space<vmem>>)
      %ge3A_227 = arith.constant 5 : i32
      %ge3A_228 = arith.cmpi sge, %add3A_223, %ge3A_227 : i32
      %convert_element_type3A_229 = arith.extui %ge3A_228 : i1 to i32
      %cond3A_230 = arith.constant 0 : i32
      %cond3A_231 = arith.cmpi ne, %convert_element_type3A_229, %cond3A_230 : i32
      scf.if %cond3A_231 {
        %sub3A_261 = arith.constant 5 : i32
        %sub3A_262 = arith.subi %add3A_223, %sub3A_261 : i32
        %mul3A_263 = arith.constant 64 : i32
        %mul3A_264 = arith.muli %sub3A_262, %mul3A_263 : i32
        %add3A_265 = arith.addi %mul3A_2, %mul3A_264 : i32
        %dma_wait3A_266 = arith.constant 0 : i32
        %dma_wait3A_267 = tpu.memref_slice %arg4[%add3A_265, %dma_wait3A_266] : memref<204800x128xf32, #tpu.memory_space<hbm>> -> memref<64x128xf32, #tpu.memory_space<hbm>>
        %dma_wait3A_268 = arith.constant 0 : i32
        %dma_wait3A_269 = tpu.memref_slice %arg4[%add3A_265, %dma_wait3A_268] : memref<204800x128xf32, #tpu.memory_space<hbm>> -> memref<64x128xf32, #tpu.memory_space<hbm>>
        tpu.wait_dma2 semaphore(%arg34 : memref<!tpu.dma_semaphore, #tpu.memory_space<semaphore_mem>>) src(%arg19 : memref<64x128xf32, #tpu.memory_space<vmem>>) dst(%dma_wait3A_269 : memref<64x128xf32, #tpu.memory_space<hbm>>)
      } else {
      }
      %scan3A_232 = arith.constant 0 : i32
      %scan3A_233 = arith.constant 0 : i32
      %scan3A_234 = arith.constant 64 : i32
      %scan3A_235 = arith.addi %scan3A_233, %scan3A_234 : i32
      %scan3A_236 = arith.constant 1 : i32
      scf.for %scan3A_261 = %scan3A_233 to %scan3A_235 step %scan3A_236  : i32 {
        %get3A = arith.index_cast %scan3A_261 : i32 to index
        %get3A_262 = arith.constant 0 : index
        %get3A_263 = tpu.vector_load %arg14[%get3A, %get3A_262] {strides = array<i32>} : memref<64x128xf32, #tpu.memory_space<vmem>>, vector<1x16xf32>,
        %get3A_264 = vector.shape_cast %get3A_263 : vector<1x16xf32> to vector<16xf32>
        %mul3A_265 = arith.constant 11.3137083 : f32
        %mul3A_266 = vector.broadcast %mul3A_265 : f32 to vector<16xf32>
        %mul3A_267 = arith.mulf %get3A_264, %mul3A_266 : vector<16xf32>
        %swap3A = arith.index_cast %scan3A_261 : i32 to index
        %swap3A_268 = arith.constant 0 : index
        %swap3A_269 = tpu.vector_load %arg19[%swap3A, %swap3A_268] {strides = array<i32>} : memref<64x128xf32, #tpu.memory_space<vmem>>, vector<1x16xf32>,
        %swap3A_270 = vector.shape_cast %swap3A_269 : vector<1x16xf32> to vector<16xf32>
        %swap3A_271 = vector.shape_cast %mul3A_267 : vector<16xf32> to vector<1x16xf32>
        tpu.vector_store %arg19[%swap3A, %swap3A_268], %swap3A_271 {strides = array<i32>} : memref<64x128xf32, #tpu.memory_space<vmem>>, vector<1x16xf32>,
        %get3A_272 = arith.index_cast %scan3A_261 : i32 to index
        %get3A_273 = arith.constant 16 : index
        %get3A_274 = tpu.vector_load %arg14[%get3A_272, %get3A_273] {strides = array<i32>} : memref<64x128xf32, #tpu.memory_space<vmem>>, vector<1x16xf32>,
        %get3A_275 = vector.shape_cast %get3A_274 : vector<1x16xf32> to vector<16xf32>
        %mul3A_276 = arith.constant 11.3137083 : f32
        %mul3A_277 = vector.broadcast %mul3A_276 : f32 to vector<16xf32>
        %mul3A_278 = arith.mulf %get3A_275, %mul3A_277 : vector<16xf32>
        %swap3A_279 = arith.index_cast %scan3A_261 : i32 to index
        %swap3A_280 = arith.constant 16 : index
        %swap3A_281 = tpu.vector_load %arg19[%swap3A_279, %swap3A_280] {strides = array<i32>} : memref<64x128xf32, #tpu.memory_space<vmem>>, vector<1x16xf32>,
        %swap3A_282 = vector.shape_cast %swap3A_281 : vector<1x16xf32> to vector<16xf32>
        %swap3A_283 = vector.shape_cast %mul3A_278 : vector<16xf32> to vector<1x16xf32>
        tpu.vector_store %arg19[%swap3A_279, %swap3A_280], %swap3A_283 {strides = array<i32>} : memref<64x128xf32, #tpu.memory_space<vmem>>, vector<1x16xf32>,
        %get3A_284 = arith.index_cast %scan3A_261 : i32 to index
        %get3A_285 = arith.constant 32 : index
        %get3A_286 = tpu.vector_load %arg14[%get3A_284, %get3A_285] {strides = array<i32>} : memref<64x128xf32, #tpu.memory_space<vmem>>, vector<1x16xf32>,
        %get3A_287 = vector.shape_cast %get3A_286 : vector<1x16xf32> to vector<16xf32>
        %mul3A_288 = arith.constant 11.3137083 : f32
        %mul3A_289 = vector.broadcast %mul3A_288 : f32 to vector<16xf32>
        %mul3A_290 = arith.mulf %get3A_287, %mul3A_289 : vector<16xf32>
        %swap3A_291 = arith.index_cast %scan3A_261 : i32 to index
        %swap3A_292 = arith.constant 32 : index
        %swap3A_293 = tpu.vector_load %arg19[%swap3A_291, %swap3A_292] {strides = array<i32>} : memref<64x128xf32, #tpu.memory_space<vmem>>, vector<1x16xf32>,
        %swap3A_294 = vector.shape_cast %swap3A_293 : vector<1x16xf32> to vector<16xf32>
        %swap3A_295 = vector.shape_cast %mul3A_290 : vector<16xf32> to vector<1x16xf32>
        tpu.vector_store %arg19[%swap3A_291, %swap3A_292], %swap3A_295 {strides = array<i32>} : memref<64x128xf32, #tpu.memory_space<vmem>>, vector<1x16xf32>,
        %get3A_296 = arith.index_cast %scan3A_261 : i32 to index
        %get3A_297 = arith.constant 48 : index
        %get3A_298 = tpu.vector_load %arg14[%get3A_296, %get3A_297] {strides = array<i32>} : memref<64x128xf32, #tpu.memory_space<vmem>>, vector<1x16xf32>,
        %get3A_299 = vector.shape_cast %get3A_298 : vector<1x16xf32> to vector<16xf32>
        %mul3A_300 = arith.constant 11.3137083 : f32
        %mul3A_301 = vector.broadcast %mul3A_300 : f32 to vector<16xf32>
        %mul3A_302 = arith.mulf %get3A_299, %mul3A_301 : vector<16xf32>
        %swap3A_303 = arith.index_cast %scan3A_261 : i32 to index
        %swap3A_304 = arith.constant 48 : index
        %swap3A_305 = tpu.vector_load %arg19[%swap3A_303, %swap3A_304] {strides = array<i32>} : memref<64x128xf32, #tpu.memory_space<vmem>>, vector<1x16xf32>,
        %swap3A_306 = vector.shape_cast %swap3A_305 : vector<1x16xf32> to vector<16xf32>
        %swap3A_307 = vector.shape_cast %mul3A_302 : vector<16xf32> to vector<1x16xf32>
        tpu.vector_store %arg19[%swap3A_303, %swap3A_304], %swap3A_307 {strides = array<i32>} : memref<64x128xf32, #tpu.memory_space<vmem>>, vector<1x16xf32>,
        %get3A_308 = arith.index_cast %scan3A_261 : i32 to index
        %get3A_309 = arith.constant 64 : index
        %get3A_310 = tpu.vector_load %arg14[%get3A_308, %get3A_309] {strides = array<i32>} : memref<64x128xf32, #tpu.memory_space<vmem>>, vector<1x16xf32>,
        %get3A_311 = vector.shape_cast %get3A_310 : vector<1x16xf32> to vector<16xf32>
        %mul3A_312 = arith.constant 11.3137083 : f32
        %mul3A_313 = vector.broadcast %mul3A_312 : f32 to vector<16xf32>
        %mul3A_314 = arith.mulf %get3A_311, %mul3A_313 : vector<16xf32>
        %swap3A_315 = arith.index_cast %scan3A_261 : i32 to index
        %swap3A_316 = arith.constant 64 : index
        %swap3A_317 = tpu.vector_load %arg19[%swap3A_315, %swap3A_316] {strides = array<i32>} : memref<64x128xf32, #tpu.memory_space<vmem>>, vector<1x16xf32>,
        %swap3A_318 = vector.shape_cast %swap3A_317 : vector<1x16xf32> to vector<16xf32>
        %swap3A_319 = vector.shape_cast %mul3A_314 : vector<16xf32> to vector<1x16xf32>
        tpu.vector_store %arg19[%swap3A_315, %swap3A_316], %swap3A_319 {strides = array<i32>} : memref<64x128xf32, #tpu.memory_space<vmem>>, vector<1x16xf32>,
        %get3A_320 = arith.index_cast %scan3A_261 : i32 to index
        %get3A_321 = arith.constant 80 : index
        %get3A_322 = tpu.vector_load %arg14[%get3A_320, %get3A_321] {strides = array<i32>} : memref<64x128xf32, #tpu.memory_space<vmem>>, vector<1x16xf32>,
        %get3A_323 = vector.shape_cast %get3A_322 : vector<1x16xf32> to vector<16xf32>
        %mul3A_324 = arith.constant 11.3137083 : f32
        %mul3A_325 = vector.broadcast %mul3A_324 : f32 to vector<16xf32>
        %mul3A_326 = arith.mulf %get3A_323, %mul3A_325 : vector<16xf32>
        %swap3A_327 = arith.index_cast %scan3A_261 : i32 to index
        %swap3A_328 = arith.constant 80 : index
        %swap3A_329 = tpu.vector_load %arg19[%swap3A_327, %swap3A_328] {strides = array<i32>} : memref<64x128xf32, #tpu.memory_space<vmem>>, vector<1x16xf32>,
        %swap3A_330 = vector.shape_cast %swap3A_329 : vector<1x16xf32> to vector<16xf32>
        %swap3A_331 = vector.shape_cast %mul3A_326 : vector<16xf32> to vector<1x16xf32>
        tpu.vector_store %arg19[%swap3A_327, %swap3A_328], %swap3A_331 {strides = array<i32>} : memref<64x128xf32, #tpu.memory_space<vmem>>, vector<1x16xf32>,
        %get3A_332 = arith.index_cast %scan3A_261 : i32 to index
        %get3A_333 = arith.constant 96 : index
        %get3A_334 = tpu.vector_load %arg14[%get3A_332, %get3A_333] {strides = array<i32>} : memref<64x128xf32, #tpu.memory_space<vmem>>, vector<1x16xf32>,
        %get3A_335 = vector.shape_cast %get3A_334 : vector<1x16xf32> to vector<16xf32>
        %mul3A_336 = arith.constant 11.3137083 : f32
        %mul3A_337 = vector.broadcast %mul3A_336 : f32 to vector<16xf32>
        %mul3A_338 = arith.mulf %get3A_335, %mul3A_337 : vector<16xf32>
        %swap3A_339 = arith.index_cast %scan3A_261 : i32 to index
        %swap3A_340 = arith.constant 96 : index
        %swap3A_341 = tpu.vector_load %arg19[%swap3A_339, %swap3A_340] {strides = array<i32>} : memref<64x128xf32, #tpu.memory_space<vmem>>, vector<1x16xf32>,
        %swap3A_342 = vector.shape_cast %swap3A_341 : vector<1x16xf32> to vector<16xf32>
        %swap3A_343 = vector.shape_cast %mul3A_338 : vector<16xf32> to vector<1x16xf32>
        tpu.vector_store %arg19[%swap3A_339, %swap3A_340], %swap3A_343 {strides = array<i32>} : memref<64x128xf32, #tpu.memory_space<vmem>>, vector<1x16xf32>,
        %get3A_344 = arith.index_cast %scan3A_261 : i32 to index
        %get3A_345 = arith.constant 112 : index
        %get3A_346 = tpu.vector_load %arg14[%get3A_344, %get3A_345] {strides = array<i32>} : memref<64x128xf32, #tpu.memory_space<vmem>>, vector<1x16xf32>,
        %get3A_347 = vector.shape_cast %get3A_346 : vector<1x16xf32> to vector<16xf32>
        %mul3A_348 = arith.constant 11.3137083 : f32
        %mul3A_349 = vector.broadcast %mul3A_348 : f32 to vector<16xf32>
        %mul3A_350 = arith.mulf %get3A_347, %mul3A_349 : vector<16xf32>
        %swap3A_351 = arith.index_cast %scan3A_261 : i32 to index
        %swap3A_352 = arith.constant 112 : index
        %swap3A_353 = tpu.vector_load %arg19[%swap3A_351, %swap3A_352] {strides = array<i32>} : memref<64x128xf32, #tpu.memory_space<vmem>>, vector<1x16xf32>,
        %swap3A_354 = vector.shape_cast %swap3A_353 : vector<1x16xf32> to vector<16xf32>
        %swap3A_355 = vector.shape_cast %mul3A_350 : vector<16xf32> to vector<1x16xf32>
        tpu.vector_store %arg19[%swap3A_351, %swap3A_352], %swap3A_355 {strides = array<i32>} : memref<64x128xf32, #tpu.memory_space<vmem>>, vector<1x16xf32>,
      }
      %scan3A_237 = arith.constant 64 : i32
      %mul3A_238 = arith.constant 64 : i32
      %mul3A_239 = arith.muli %add3A_223, %mul3A_238 : i32
      %add3A_240 = arith.addi %mul3A_2, %mul3A_239 : i32
      %dma_start3A_241 = arith.constant 0 : i32
      %dma_start3A_242 = tpu.memref_slice %arg4[%add3A_240, %dma_start3A_241] : memref<204800x128xf32, #tpu.memory_space<hbm>> -> memref<64x128xf32, #tpu.memory_space<hbm>>
      %dma_start3A_243 = arith.constant 0 : i32
      %dma_start3A_244 = tpu.memref_slice %arg4[%add3A_240, %dma_start3A_243] : memref<204800x128xf32, #tpu.memory_space<hbm>> -> memref<64x128xf32, #tpu.memory_space<hbm>>
      tpu.enqueue_dma source(%arg19 : memref<64x128xf32, #tpu.memory_space<vmem>>) target(%dma_start3A_244 : memref<64x128xf32, #tpu.memory_space<hbm>>) target_semaphore(%arg34 : memref<!tpu.dma_semaphore, #tpu.memory_space<semaphore_mem>>)
      %add3A_245 = arith.constant 5 : i32
      %add3A_246 = arith.addi %add3A_223, %add3A_245 : i32
      %lt3A_247 = arith.constant 100 : i32
      %lt3A_248 = arith.cmpi slt, %add3A_246, %lt3A_247 : i32
      %convert_element_type3A_249 = arith.extui %lt3A_248 : i1 to i32
      %cond3A_250 = arith.constant 0 : i32
      %cond3A_251 = arith.cmpi ne, %convert_element_type3A_249, %cond3A_250 : i32
      scf.if %cond3A_251 {
        %add3A_261 = arith.constant 5 : i32
        %add3A_262 = arith.addi %add3A_223, %add3A_261 : i32
        %mul3A_263 = arith.constant 64 : i32
        %mul3A_264 = arith.muli %add3A_262, %mul3A_263 : i32
        %add3A_265 = arith.addi %mul3A_2, %mul3A_264 : i32
        %dma_start3A_266 = tpu.memref_slice %arg2[%add3A_265] : memref<204800xi32, #tpu.memory_space<hbm>> -> memref<64xi32, #tpu.memory_space<hbm>>
        %dma_start3A_267 = tpu.memref_slice %arg2[%add3A_265] : memref<204800xi32, #tpu.memory_space<hbm>> -> memref<64xi32, #tpu.memory_space<hbm>>
        tpu.enqueue_dma source(%dma_start3A_267 : memref<64xi32, #tpu.memory_space<hbm>>) target(%arg9 : memref<64xi32, #tpu.memory_space<vmem>>) target_semaphore(%arg24 : memref<!tpu.dma_semaphore, #tpu.memory_space<semaphore_mem>>)
      } else {
      }
      %add3A_252 = arith.constant 5 : i32
      %add3A_253 = arith.addi %add3A_223, %add3A_252 : i32
      %sub3A_254 = arith.constant 1 : i32
      %sub3A_255 = arith.subi %add3A_253, %sub3A_254 : i32
      %lt3A_256 = arith.constant 100 : i32
      %lt3A_257 = arith.cmpi slt, %sub3A_255, %lt3A_256 : i32
      %convert_element_type3A_258 = arith.extui %lt3A_257 : i1 to i32
      %cond3A_259 = arith.constant 0 : i32
      %cond3A_260 = arith.cmpi ne, %convert_element_type3A_258, %cond3A_259 : i32
      scf.if %cond3A_260 {
        %add3A_261 = arith.constant 5 : i32
        %add3A_262 = arith.addi %add3A_223, %add3A_261 : i32
        %sub3A_263 = arith.constant 1 : i32
        %sub3A_264 = arith.subi %add3A_262, %sub3A_263 : i32
        %mul3A_265 = arith.constant 64 : i32
        %mul3A_266 = arith.muli %sub3A_264, %mul3A_265 : i32
        %add3A_267 = arith.addi %mul3A_2, %mul3A_266 : i32
        %dma_wait3A_268 = tpu.memref_slice %arg2[%add3A_267] : memref<204800xi32, #tpu.memory_space<hbm>> -> memref<64xi32, #tpu.memory_space<hbm>>
        %dma_wait3A_269 = tpu.memref_slice %arg2[%add3A_267] : memref<204800xi32, #tpu.memory_space<hbm>> -> memref<64xi32, #tpu.memory_space<hbm>>
        tpu.wait_dma2 semaphore(%arg23 : memref<!tpu.dma_semaphore, #tpu.memory_space<semaphore_mem>>) src(%dma_wait3A_269 : memref<64xi32, #tpu.memory_space<hbm>>) dst(%arg8 : memref<64xi32, #tpu.memory_space<vmem>>)
        %dma_start3A_270 = arith.constant 0 : i32
        %dma_start3A_271 = arith.constant 0 : i32
        %dma_start3A_272 = tpu.memref_slice %arg3[%dma_start3A_270, %dma_start3A_271] : memref<1000000x128xf32, #tpu.memory_space<hbm>> -> memref<1000000x128xf32, #tpu.memory_space<hbm>>
        tpu.enqueue_indirect_dma source(%dma_start3A_272 : memref<1000000x128xf32, #tpu.memory_space<hbm>>) target(%arg13 : memref<64x128xf32, #tpu.memory_space<vmem>>) offsets(%arg8 : memref<64xi32, #tpu.memory_space<vmem>>) semaphore(%arg28 : memref<!tpu.dma_semaphore, #tpu.memory_space<semaphore_mem>>)
      } else {
      }
    }
    %scan3A_30 = arith.constant 20 : i32
    %add3A_31 = arith.constant 6080 : i32
    %add3A_32 = arith.addi %mul3A_2, %add3A_31 : i32
    %dma_wait3A = arith.constant 0 : i32
    %dma_wait3A_33 = tpu.memref_slice %arg4[%add3A_32, %dma_wait3A] : memref<204800x128xf32, #tpu.memory_space<hbm>> -> memref<64x128xf32, #tpu.memory_space<hbm>>
    %dma_wait3A_34 = arith.constant 0 : i32
    %dma_wait3A_35 = tpu.memref_slice %arg4[%add3A_32, %dma_wait3A_34] : memref<204800x128xf32, #tpu.memory_space<hbm>> -> memref<64x128xf32, #tpu.memory_space<hbm>>
    tpu.wait_dma2 semaphore(%arg30 : memref<!tpu.dma_semaphore, #tpu.memory_space<semaphore_mem>>) src(%arg15 : memref<64x128xf32, #tpu.memory_space<vmem>>) dst(%dma_wait3A_35 : memref<64x128xf32, #tpu.memory_space<hbm>>)
    %add3A_36 = arith.constant 6144 : i32
    %add3A_37 = arith.addi %mul3A_2, %add3A_36 : i32
    %dma_wait3A_38 = arith.constant 0 : i32
    %dma_wait3A_39 = tpu.memref_slice %arg4[%add3A_37, %dma_wait3A_38] : memref<204800x128xf32, #tpu.memory_space<hbm>> -> memref<64x128xf32, #tpu.memory_space<hbm>>
    %dma_wait3A_40 = arith.constant 0 : i32
    %dma_wait3A_41 = tpu.memref_slice %arg4[%add3A_37, %dma_wait3A_40] : memref<204800x128xf32, #tpu.memory_space<hbm>> -> memref<64x128xf32, #tpu.memory_space<hbm>>
    tpu.wait_dma2 semaphore(%arg31 : memref<!tpu.dma_semaphore, #tpu.memory_space<semaphore_mem>>) src(%arg16 : memref<64x128xf32, #tpu.memory_space<vmem>>) dst(%dma_wait3A_41 : memref<64x128xf32, #tpu.memory_space<hbm>>)
    %add3A_42 = arith.constant 6208 : i32
    %add3A_43 = arith.addi %mul3A_2, %add3A_42 : i32
    %dma_wait3A_44 = arith.constant 0 : i32
    %dma_wait3A_45 = tpu.memref_slice %arg4[%add3A_43, %dma_wait3A_44] : memref<204800x128xf32, #tpu.memory_space<hbm>> -> memref<64x128xf32, #tpu.memory_space<hbm>>
    %dma_wait3A_46 = arith.constant 0 : i32
    %dma_wait3A_47 = tpu.memref_slice %arg4[%add3A_43, %dma_wait3A_46] : memref<204800x128xf32, #tpu.memory_space<hbm>> -> memref<64x128xf32, #tpu.memory_space<hbm>>
    tpu.wait_dma2 semaphore(%arg32 : memref<!tpu.dma_semaphore, #tpu.memory_space<semaphore_mem>>) src(%arg17 : memref<64x128xf32, #tpu.memory_space<vmem>>) dst(%dma_wait3A_47 : memref<64x128xf32, #tpu.memory_space<hbm>>)
    %add3A_48 = arith.constant 6272 : i32
    %add3A_49 = arith.addi %mul3A_2, %add3A_48 : i32
    %dma_wait3A_50 = arith.constant 0 : i32
    %dma_wait3A_51 = tpu.memref_slice %arg4[%add3A_49, %dma_wait3A_50] : memref<204800x128xf32, #tpu.memory_space<hbm>> -> memref<64x128xf32, #tpu.memory_space<hbm>>
    %dma_wait3A_52 = arith.constant 0 : i32
    %dma_wait3A_53 = tpu.memref_slice %arg4[%add3A_49, %dma_wait3A_52] : memref<204800x128xf32, #tpu.memory_space<hbm>> -> memref<64x128xf32, #tpu.memory_space<hbm>>
    tpu.wait_dma2 semaphore(%arg33 : memref<!tpu.dma_semaphore, #tpu.memory_space<semaphore_mem>>) src(%arg18 : memref<64x128xf32, #tpu.memory_space<vmem>>) dst(%dma_wait3A_53 : memref<64x128xf32, #tpu.memory_space<hbm>>)
    %add3A_54 = arith.constant 6336 : i32
    %add3A_55 = arith.addi %mul3A_2, %add3A_54 : i32
    %dma_wait3A_56 = arith.constant 0 : i32
    %dma_wait3A_57 = tpu.memref_slice %arg4[%add3A_55, %dma_wait3A_56] : memref<204800x128xf32, #tpu.memory_space<hbm>> -> memref<64x128xf32, #tpu.memory_space<hbm>>
    %dma_wait3A_58 = arith.constant 0 : i32
    %dma_wait3A_59 = tpu.memref_slice %arg4[%add3A_55, %dma_wait3A_58] : memref<204800x128xf32, #tpu.memory_space<hbm>> -> memref<64x128xf32, #tpu.memory_space<hbm>>
    tpu.wait_dma2 semaphore(%arg34 : memref<!tpu.dma_semaphore, #tpu.memory_space<semaphore_mem>>) src(%arg19 : memref<64x128xf32, #tpu.memory_space<vmem>>) dst(%dma_wait3A_59 : memref<64x128xf32, #tpu.memory_space<hbm>>)
    return
  }
}

module attributes {stable_mosaic.version = 14 : i64} {
  func.func @_mask_body(%arg0: memref<1024x1xi32, #tpu.memory_space<vmem>>, %arg1: memref<1024x200xf32, #tpu.memory_space<vmem>>) attributes {dimension_semantics = [], scalar_prefetch = 0 : i64, scratch_operands = 0 : i64, tpu.core_type = #tpu.core_type<tc>} {
    %iota3A = tpu.iota {dimensions = array<i32: 1>} : vector<1024x200xi32>
    %get3A = arith.constant 0 : index
    %get3A_0 = arith.constant 0 : index
    %get3A_1 = vector.load %arg0[%get3A, %get3A_0] : memref<1024x1xi32, #tpu.memory_space<vmem>>, vector<1024x1xi32>
    %lt3A = vector.broadcast %get3A_1 : vector<1024x1xi32> to vector<1024x200xi32>
    %lt3A_2 = arith.cmpi slt, %iota3A, %lt3A : vector<1024x200xi32>
    %jit3A = arith.constant 0.000000e+00 : f32
    %jit3A_3 = arith.constant 0xFF800000 : f32
    %broadcast_in_dim3A = vector.broadcast %jit3A : f32 to vector<1024x200xf32>
    %broadcast_in_dim3A_4 = vector.broadcast %jit3A_3 : f32 to vector<1024x200xf32>
    %select_n3A = arith.select %lt3A_2, %broadcast_in_dim3A, %broadcast_in_dim3A_4 : vector<1024x200xi1>, vector<1024x200xf32>
    %swap3A = arith.constant 0 : index
    %swap3A_5 = arith.constant 0 : index
    %swap3A_6 = vector.load %arg1[%swap3A, %swap3A_5] : memref<1024x200xf32, #tpu.memory_space<vmem>>, vector<1024x200xf32>
    tpu.vector_store %arg1[%swap3A, %swap3A_5], %select_n3A {strides = array<i32>} : memref<1024x200xf32, #tpu.memory_space<vmem>>, vector<1024x200xf32>,
    return
  }
}

</mosaic_0001>

<sc_bundles>
// kernel: kernel.4.cloned.1.call-start
scs
__scs_entry_jumppad:
0x0: {  	(pc) =	sbr.rel $0x88, $3  }
0x1: {  	(tag) =	ssettag $0x0;
	lr =	simm.s32 $0x1  }
0x2: {  	[smem:$0x3F9E] =	sst lr;
	_ =	strace $0xD0000000  }
0x3: {  	_ = 	snop  }
0x4: {  	_ = 	snop  }
0x5: {  	_ = 	snop  }
0x6: {  	_ = 	snop  }
0x7: {  	_ = 	snop  }
__scs_overlays_trampoline_lowered:
0x8: {  	[smem:$0x3FAD] =	sst s0  }
0x9: {  	[smem:$0x3FAE] =	sst s1  }
0xa: {  	[smem:$0x3FAF] =	sst s2  }
0xb: {  	[smem:$0x3FB0] =	sst s3  }
0xc: {  	[smem:$0x3FB1] =	sst s4  }
0xd: {  	[smem:$0x3FB2] =	sst s5  }
0xe: {  	[smem:$0x3FB3] =	sst s6  }
0xf: {  	[smem:$0x3FB4] =	sst s7  }
0x10: {  	[smem:$0x3FB5] =	sst s8  }
0x11: {  	[smem:$0x3FB6] =	sst s9;
	s0 =	simm.s32 @!p0 $0x0  }
0x12: {  	s1 =	sld [smem:$0x3F9C];
	s0 =	simm.s32 @p0 $0x1  }
0x13: {  	[smem:$0x3FB7] =	sst s0;
	s0 =	simm.s32 @!p1 $0x0  }
0x14: {  	s2 =	sld [smem:$0x3F9B];
	s0 =	simm.s32 @p1 $0x1  }
0x15: {  	[smem:$0x3FB8] =	sst s0;
	s0 =	simm.s32 @!p2 $0x0  }
0x16: {  	s3 =	sld [smem:$0x3FDB];
	s0 =	simm.s32 @p2 $0x1  }
0x17: {  	s4 =	simm.s32 $0x1BF5;
	[smem:$0x3FBA] =	sst s0  }
0x18: {  	s0 =	sld [smem:$0x3F9D];
	_ =	swait.ge [sflag:s4], $0x0  }
0x19: {  	s7 =	sld [smem:$0x3F9E]  }
0x1a: {  	s8 =	sadd.s32 $0xFFFFE003, lr  }
0x1b: {  	s9 =	sadd.s32 $0xFFFFFEF7, lr;
	s5 =	simm.s32 $0xFFFFFFFF;
	p2 =	slt.u32 s8, $0xFFFFF086  }
0x1c: {  	p1 =	slt.u32 s9, $0xF7A;
	s5 =	simm.s32 @!p2 $0x0  }
0x1d: {  	s5 =	simm.s32 @p1 $0x1;
	p0 =	seq.s32 s7, s2  }
0x1e: {  	s7 =	smul.u32 @!p0 $0xF7A, s2;
	p2 =	seq.s32 @!p0 s5, $0x0  }
0x1f: {  	s9 =	smul.u32 $0xF7A, s1;
	s8 =	simm.s32 @!p0 $0x1BF5;
	p2 =	por !p2, p0  }
0x20: {  	[sflag:s8] =	ssyncset.s32 @!p0 $0xFFFFF086;
	s6 =	sadd.s32 @!p0 s3, s7;
	s7 =	simm.s32 @!p0 $0x108  }
0x21: {  	s3 =	sadd.s32 s3, s9;
	s6 =	sadd.s32 @!p0 $0x88, s6;
	s7 =	simm.s32 @p2 $0x1082  }
0x22: {  	[simem:s7], [sflag:s8] =	dma.local @!p0 [hbm:s6], $0xF7A  }
0x23: {  	s9 =	sor.u32 $0xD0000000, s2;
	s6 =	simm.s32 $0x108;
	_ =	swait.ge @!p0 [sflag:s8], $0x0  }
0x24: {  	s3 =	sadd.s32 $0x88, s3;
	s6 =	simm.s32 @!p1 $0x1082;
	[sflag:s4] =	ssyncset.s32 $0xFFFFF086  }
0x25: {  	[simem:s6], [sflag:s4] =	dma.local [hbm:s3], $0xF7A  }
0x26: {  	[smem:$0x3F9E] =	sst s1;
	(tag) =	ssettag s2;
	_ =	strace s9  }
0x27: {  	s1 =	sld [smem:$0x3FAE]  }
0x28: {  	s2 =	sld [smem:$0x3FAF]  }
0x29: {  	s4 =	sld [smem:$0x3FB1]  }
0x2a: {  	p0 =	seq.s32 s5, $0x0;
	s5 =	sld [smem:$0x3FB2]  }
0x2b: {  	s6 =	sld [smem:$0x3FB3]  }
0x2c: {  	s7 =	sld [smem:$0x3FB4]  }
0x2d: {  	s3 =	simm.s32 $0x108;
	s8 =	sld [smem:$0x3FB5]  }
0x2e: {  	s3 =	simm.s32 @!p0 $0x1082;
	s9 =	sld [smem:$0x3FB6]  }
0x2f: {  	lr =	sadd.s32 s0, s3;
	s0 =	sld [smem:$0x3FAD]  }
0x30: {  	s3 =	sld [smem:$0x3FB0]  }
0x31: {  	[smem:$0x3FB9] =	sst s10  }
0x32: {  	s10 =	sld [smem:$0x3FB7];
	_ =	sdelay $0x3  }
0x33: {  	p0 =	seq.s32 s10, $0x1;
	s10 =	sld [smem:$0x3FB9];
	_ =	sdelay $0x3  }
0x34: {  	[smem:$0x3FB9] =	sst s10  }
0x35: {  	s10 =	sld [smem:$0x3FB8];
	_ =	sdelay $0x3  }
0x36: {  	p1 =	seq.s32 s10, $0x1;
	s10 =	sld [smem:$0x3FB9];
	_ =	sdelay $0x3  }
0x37: {  	[smem:$0x3FB9] =	sst s10  }
0x38: {  	s10 =	sld [smem:$0x3FBA]  }
0x39: {  	_ = 	snop;
	(pc) =	sbr.ind lr, $3  }
0x3a: {  	_ = 	snop  }
0x3b: {  	_ = 	snop  }
0x3c: {  	p2 =	seq.s32 s10, $0x1;
	s10 =	sld [smem:$0x3FB9]  }
0x3d: {  	_ =	shalt  }
0x3e: {  	_ =	shalt  }
0x3f: {  	_ =	shalt  }
0x40: {  	_ =	shalt  }
0x41: {  	_ =	shalt  }
0x42: {  	_ =	shalt  }
0x43: {  	_ =	shalt  }
0x44: {  	_ =	shalt  }
0x45: {  	_ =	shalt  }
0x46: {  	_ =	shalt  }
0x47: {  	_ =	shalt  }
0x48: {  	_ =	shalt  }
0x49: {  	_ =	shalt  }
0x4a: {  	_ =	shalt  }
0x4b: {  	_ =	shalt  }
0x4c: {  	_ =	shalt  }
0x4d: {  	_ =	shalt  }
0x4e: {  	_ =	shalt  }
0x4f: {  	_ =	shalt  }
0x50: {  	_ =	shalt  }
0x51: {  	_ =	shalt  }
0x52: {  	_ =	shalt  }
0x53: {  	_ =	shalt  }
0x54: {  	_ =	shalt  }
0x55: {  	_ =	shalt  }
0x56: {  	_ =	shalt  }
0x57: {  	_ =	shalt  }
0x58: {  	_ =	shalt  }
0x59: {  	_ =	shalt  }
0x5a: {  	_ =	shalt  }
0x5b: {  	_ =	shalt  }
0x5c: {  	_ =	shalt  }
0x5d: {  	_ =	shalt  }
0x5e: {  	_ =	shalt  }
0x5f: {  	_ =	shalt  }
0x60: {  	_ =	shalt  }
0x61: {  	_ =	shalt  }
0x62: {  	_ =	shalt  }
0x63: {  	_ =	shalt  }
0x64: {  	_ =	shalt  }
0x65: {  	_ =	shalt  }
0x66: {  	_ =	shalt  }
0x67: {  	_ =	shalt  }
0x68: {  	_ =	shalt  }
0x69: {  	_ =	shalt  }
0x6a: {  	_ =	shalt  }
0x6b: {  	_ =	shalt  }
0x6c: {  	_ =	shalt  }
0x6d: {  	_ =	shalt  }
0x6e: {  	_ =	shalt  }
0x6f: {  	_ =	shalt  }
0x70: {  	_ =	shalt  }
0x71: {  	_ =	shalt  }
0x72: {  	_ =	shalt  }
0x73: {  	_ =	shalt  }
0x74: {  	_ =	shalt  }
0x75: {  	_ =	shalt  }
0x76: {  	_ =	shalt  }
0x77: {  	_ =	shalt  }
0x78: {  	_ =	shalt  }
0x79: {  	_ =	shalt  }
0x7a: {  	_ =	shalt  }
0x7b: {  	_ =	shalt  }
0x7c: {  	_ =	shalt  }
0x7d: {  	_ =	shalt  }
0x7e: {  	_ =	shalt  }
0x7f: {  	_ =	shalt  }
0x80: {  	_ =	shalt  }
0x81: {  	_ =	shalt  }
0x82: {  	_ =	shalt  }
0x83: {  	_ =	shalt  }
0x84: {  	_ =	shalt  }
0x85: {  	_ =	shalt  }
0x86: {  	_ =	shalt  }
0x87: {  	_ =	shalt  }
.Lfunc_end0:
.L_simem_size_0:
called_computation_lowered:
.L_overlay_start_0:
0x88: {  	s2 =	sld [smem:$0x3FD9]  }
0x89: {  	s3 =	sld [smem:$0x3FFE];
	_ =	sdelay $0x1  }
0x8a: {  	s1 =	srdreg.scid  }
0x8b: {  	s0 =	sand.u32 $0x1, s1  }
0x8c: {  	s14 =	sshll.u32 s0, $0xA;
	s2 =	sadd.s32 s3, s2  }
0x8d: {  	s2 =	sadd.s32 s2, s14  }
0x8e: {  	[smem:$0x3FC5] =	sst s2  }
0x8f: {  	_ = 	snop  }
0x90: {  	s2 =	sld [smem:$0x3FD0];
	_ =	sdelay $0x2  }
0x91: {  	s4 =	simm.s32 $0xA;
	s5 =	simm.s32 $0x10;
	s15 =	sld [smem:$0x3FC7]  }
0x92: {  	[smem:s5], [sflag:s4] =	dma.local [hbm:s2], $0x1  }
0x93: {  	_ =	swait.eq [sflag:s4], $0x1  }
0x94: {  	[sflag:s4] =	ssyncset.done $0x0  }
0x95: {  	[sflag:s4] =	ssyncadd.s32 $0xFFFFFFFF  }
0x96: {  	s16 =	sld [smem:$0x10];
	(tm) =	ssettm $0x1  }
0x97: {  	s17 =	sld [smem:$0x3FFB];
	_ =	sdelay $0x3  }
0x98: {  	_ =	strace s17  }
0x99: {  	s4 =	sld [smem:$0x3FFC];
	_ =	sdelay $0x3  }
0x9a: {  	_ =	strace s4  }
0x9b: {  	s4 =	sld [smem:$0x3FFD];
	_ =	sdelay $0x3  }
0x9c: {  	_ =	strace s4  }
0x9d: {  	_ =	strace $0x8FFFFFFF  }
0x9e: {  	s18 =	sld [smem:$0x3FDB];
	_ =	sdelay $0x1  }
0x9f: {  	s19 =	simm.s32 $_scs_section_size  }
0xa0: {  	s6 =	simm.s32 $_size__tile_overlayer_lowered;
	s7 =	simm.s32 $_tile_overlayer_lowered  }
0xa1: {  	s22 =	simm.s32 $0x1BFF;
	s21 =	sshll.u32 s7, $0x1;
	s4 =	sadd.s32 s19, s18  }
0xa2: {  	s8 =	simm.s32 $0x0;
	s20 =	sshll.u32 s6, $0x1;
	s6 =	sadd.s32 s21, s4  }
0xa3: {  	[timem:s8], [sflag:s22] =	dma.local [hbm:s6], s20  }
0xa4: {  	_ =	swait.ge [sflag:s22], s20  }
0xa5: {  	s5 =	ssub.s32 $0x0, s20;
	[sflag:s22] =	ssyncset.done $0x0  }
0xa6: {  	[sflag:s22] =	ssyncadd.s32 s5;
	_ =	sdelay $0x1  }
0xa7: {  	s23 =	simm.s32 $0x1B8B  }
0xa8: {  	_ =	swait.ge [sflag:s23], $0x1  }
0xa9: {  	[sflag:s23] =	ssyncset.done $0x0  }
0xaa: {  	s25 =	simm.s32 $0x1B8E;
	s24 =	sld [smem:$0x3FFE];
	[sflag:s23] =	ssyncadd.s32 $0xFFFFFFFF  }
0xab: {  	s26 =	simm.s32 $execute0_lowered;
	[smem:$0x3FD2] =	sst s25  }
0xac: {  	s6 =	sshll.u32 s26, $0x1;
	_ =	strace $0x80000046;
	[dreg:$0x1] =	wrdreg $0xFFFFFFFF  }
0xad: {  	s28 =	simm.s32 $_size_execute0_lowered;
	s4 =	sadd.s32 s4, s6;
	[dreg:$0x0] =	wrdreg $0x0  }
0xae: {  	s6 =	sshll.u32 s28, $0x1;
	[dreg:$0x2] =	wrdreg s4  }
0xaf: {  	[dreg:$0x3] =	wrdreg s6  }
0xb0: {  	[dreg:$0x4] =	wrdreg $0xC0  }
0xb1: {  	_ =	task [dreg:s8], $0x5FFFF  }
0xb2: {  	[dreg:$0x1] =	wrdreg $0xFFFFFFFF  }
0xb3: {  	[dreg:$0x0] =	wrdreg $0x60  }
0xb4: {  	[dreg:$0x2] =	wrdreg s24  }
0xb5: {  	[dreg:$0x3] =	wrdreg s15  }
0xb6: {  	[dreg:$0x4] =	wrdreg s16  }
0xb7: {  	[dreg:$0x5] =	wrdreg $0x9  }
0xb8: {  	_ =	task.clear_ibuf [dreg:s8], $0x6FFFF;
	_ =	strace $0x90000046  }
0xb9: {  	s29 =	simm.s32 $0x9;
	_ =	strace $0x80000048  }
0xba: {  	_ =	swait.ge [sflag:s29], $0x1  }
0xbb: {  	[sflag:s29] =	ssyncadd.s32 $0xFFFFFFFF  }
0xbc: {  	_ =	strace $0x90000048  }
0xbd: {  	_ =	sfence  }
0xbe: {  	s30 =	sld [smem:$0x0];
	_ =	sdelay $0x2  }
0xbf: {  	s31 =	sshll.u32 s1, $0xD;
	s1 =	sshrl.u32 s1, $0x2  }
0xc0: {  	s3 =	sand.u32 $0x4000, s31;
	s1 =	sadd.s32 s1, s30  }
0xc1: {  	s0 =	sor.u32 s3, s0;
	s1 =	sshll.u32 s1, $0x11  }
0xc2: {  	s0 =	sor.u32 s1, s0  }
0xc3: {  	s0 =	sadd.s32 $0x8F2B, s0  }
0xc4: {  	[sflag:s0] =	ssyncadd.remote.s32 $0x1  }
0xc5: {  	_ =	sfence.sel $0xFFFF  }
0xc6: {  	[dreg:$0x0] =	wrdreg $0xFFFFFFFF;
	(pc) =	sbr.abs _section_cstart, $3  }
0xc7: {  	[dreg:$0x1] =	wrdreg $0xFFFFFFFF  }
0xc8: {  	_ =	task.clear_ibuf [dreg:s8], $0x2FFFF;
	_ =	strace $0x9FFFFFFF  }
0xc9: {  	(tm) =	ssettm $0x7FFFFFFF  }
tec
execute0_lowered:
.L_overlay_start_1:
0x0: {  	(tag) =	ssettag $0x1  }
0x1: {  	s0 =	rddreg [dreg:$0x0];
	s1 =	srdreg.scid  }
0x2: {  	s3 =	stileid.u32;
	s2 =	rddreg [dreg:$0x1]  }
0x3: {  	s11 =	simm.s32 $0x7;
	s29 =	simm.s32 $0xE;
	s16 =	simm.s32 $0xA  }
0x4: {  	s18 =	simm.s32 $0xF;
	s14 =	simm.s32 $0x0;
	s1 =	sand.u32 $0x1, s1  }
0x5: {  	s4 =	sshll.u32 s3, $0x1;
	s3 =	rddreg [dreg:$0x2];
	s6 =	sadd.s32 $0x600, s0  }
0x6: {  	s7 =	sor.u32 s1, s4;
	s4 =	simm.s32 $0x0;
	s21 =	ssub.s32 $0x2, s1  }
0x7: {  	s5 =	smul.u32 $0x1900, s7;
	[smem:$0x7FF] =	sst s4;
	s8 =	sshrl.u32 s21, $0x1  }
0x8: {  	s23 =	smul.u32 $0xC8000, s7;
	s7 =	simm.s32 $0x8;
	_ =	strace $0x80000047  }
0x9: {  	s0 =	ssub.s32 s21, s8;
	s8 =	simm.s32 $0x4;
	s21 =	simm.s32 $0x180  }
0xa: {  	s22 =	sshrl.u32 s5, $0x3;
	s12 =	sadd.s32 $0x140, s5;
	s28 =	sadd.s32 $0x180, s5  }
0xb: {  	s13 =	sor.u32 $0x2000, s23;
	s30 =	sadd.s32 $0x1C0, s5;
	[dreg:$0x9] =	wrdreg s28  }
0xc: {  	s15 =	sor.u32 $0x4000, s23;
	s31 =	sadd.s32 $0x200, s5;
	[dreg:$0xa] =	wrdreg s30  }
0xd: {  	s17 =	sor.u32 $0x6000, s23;
	s0 =	smax.u32 s0, $0x1;
	[dreg:$0xb] =	wrdreg s31  }
0xe: {  	s19 =	sadd.s32 $0x8000, s23;
	s9 =	sadd.s32 s6, s22;
	[dreg:$0xc] =	wrdreg s0  }
0xf: {  	s20 =	sadd.s32 $0x240, s5;
	s1 =	sadd.s32 $0x8, s9;
	[dreg:$0x4] =	wrdreg s9  }
.Ltmp0:
0x10: {  	s24 =	sadd.s32 $0x10, s9;
	[dreg:$0x5] =	wrdreg s1;
	(pc) =	sbr.rel .LBB2_1-.Ltmp0, $4  }
0x11: {  	s23 =	simm.s32 $0x40;
	s25 =	sadd.s32 $0x18, s9;
	[dreg:$0x6] =	wrdreg s24  }
0x12: {  	s0 =	simm.s32 $0x6;
	s26 =	sadd.s32 $0x20, s9;
	[dreg:$0x7] =	wrdreg s25  }
0x13: {  	s22 =	simm.s32 $0xD;
	s9 =	simm.s32 $0x5;
	[dreg:$0x8] =	wrdreg s26  }
0x14: {  	s1 =	simm.s32 $0x200;
	s26 =	simm.s32 $0x9;
	s24 =	simm.s32 $0x1  }
.LBB2_26:
0x15: {  	s10 =	simm.s32 $0xB  }
0x16: {  	_ =	swait.ge [sflag:s10], $0x2000  }
0x17: {  	[sflag:s10] =	ssyncset.done $0x0  }
0x18: {  	s30 =	simm.s32 $0xC;
	[sflag:s10] =	ssyncadd.s32 $0xFFFFE000  }
0x19: {  	_ =	swait.ge [sflag:s30], $0x2000  }
0x1a: {  	[sflag:s30] =	ssyncset.done $0x0  }
0x1b: {  	[sflag:s30] =	ssyncadd.s32 $0xFFFFE000  }
0x1c: {  	_ =	swait.ge [sflag:s22], $0x2000  }
0x1d: {  	[sflag:s22] =	ssyncset.done $0x0  }
0x1e: {  	[sflag:s22] =	ssyncadd.s32 $0xFFFFE000  }
0x1f: {  	_ =	swait.ge [sflag:s29], $0x2000  }
0x20: {  	[sflag:s29] =	ssyncset.done $0x0  }
0x21: {  	[sflag:s29] =	ssyncadd.s32 $0xFFFFE000  }
0x22: {  	_ =	swait.ge [sflag:s18], $0x2000  }
0x23: {  	s14 =	rddreg [dreg:$0xd]  }
0x24: {  	s31 =	rddreg [dreg:$0xc];
	s14 =	sadd.s32 $0x1, s14  }
0x25: {  	p0 =	sne.s32 s14, s31  }
.Ltmp1:
0x26: {  	_ = 	snop;
	(pc) =	sbr.rel @!p0 .LBB2_27-.Ltmp1, $3  }
0x27: {  	_ =	sdelay $0x1  }
0x28: {  	[sflag:s18] =	ssyncset.done $0x0  }
0x29: {  	[sflag:s18] =	ssyncadd.s32 $0xFFFFE000  }
.LBB2_1:
0x2a: {  	[dreg:$0xd] =	wrdreg s14  }
0x2b: {  	s10 =	rddreg [dreg:$0x4];
	s14 =	simm.s32 $0x10  }
0x2c: {  	[tilespmem:s4], [sflag:$0x10] =	stream.linear.gather [hbm4b:s10+s4], $0x40, $0x38;
	[tilespmem:$0x14280] =	vst v63  }
0x2d: {  	_ =	swait.ge [sflag:s14], $0x40  }
0x2e: {  	[sflag:s14] =	ssyncset.done $0x0  }
0x2f: {  	s28 =	simm.s32 $0x280;
	[sflag:s14] =	ssyncadd.s32 $0xFFFFFFC0  }
0x30: {  	[tilespmem:s28], [sflag:$0x6] =	stream.indirect.gather [hbm4b:s2+s23], $0x80, s4, s23, $0xb8;
	[tilespmem:$0x14280] =	vst v63  }
0x31: {  	s25 =	simm.s32 $0x80;
	s30 =	rddreg [dreg:$0x5]  }
0x32: {  	[tilespmem:s25], [sflag:$0x10] =	stream.linear.gather [hbm4b:s30+s4], $0x40, $0x38;
	[tilespmem:$0x14280] =	vst v63  }
0x33: {  	_ =	swait.ge [sflag:s14], $0x40  }
0x34: {  	[sflag:s14] =	ssyncset.done $0x0  }
0x35: {  	s31 =	simm.s32 $0x2280;
	[sflag:s14] =	ssyncadd.s32 $0xFFFFFFC0  }
0x36: {  	[tilespmem:s31], [sflag:$0x7] =	stream.indirect.gather [hbm4b:s2+s23], $0x80, s25, s23, $0xb8;
	[tilespmem:$0x14280] =	vst v63  }
0x37: {  	s30 =	simm.s32 $0x100;
	s28 =	rddreg [dreg:$0x6]  }
0x38: {  	[tilespmem:s30], [sflag:$0x10] =	stream.linear.gather [hbm4b:s28+s4], $0x40, $0x38;
	[tilespmem:$0x14280] =	vst v63  }
0x39: {  	_ =	swait.ge [sflag:s14], $0x40  }
0x3a: {  	[sflag:s14] =	ssyncset.done $0x0  }
0x3b: {  	s31 =	simm.s32 $0x4280;
	[sflag:s14] =	ssyncadd.s32 $0xFFFFFFC0  }
0x3c: {  	[tilespmem:s31], [sflag:$0x8] =	stream.indirect.gather [hbm4b:s2+s23], $0x80, s30, s23, $0xb8;
	[tilespmem:$0x14280] =	vst v63  }
0x3d: {  	s28 =	simm.s32 $0x180;
	s25 =	rddreg [dreg:$0x7]  }
0x3e: {  	[tilespmem:s28], [sflag:$0x10] =	stream.linear.gather [hbm4b:s25+s4], $0x40, $0x38;
	[tilespmem:$0x14280] =	vst v63  }
0x3f: {  	_ =	swait.ge [sflag:s14], $0x40  }
0x40: {  	[sflag:s14] =	ssyncset.done $0x0  }
0x41: {  	s30 =	simm.s32 $0x6280;
	[sflag:s14] =	ssyncadd.s32 $0xFFFFFFC0  }
0x42: {  	[tilespmem:s30], [sflag:$0x9] =	stream.indirect.gather [hbm4b:s2+s23], $0x80, s28, s23, $0xb8;
	[tilespmem:$0x14280] =	vst v63  }
0x43: {  	s31 =	rddreg [dreg:$0x8];
	s14 =	simm.s32 $0x0  }
0x44: {  	[tilespmem:s1], [sflag:$0x5] =	stream.linear.gather [hbm4b:s31+s4], $0x40, $0x38;
	[tilespmem:$0x14280] =	vst v63  }
.LBB2_2:
0x45: {  	_ =	swait.ge [sflag:s0], $0x2000  }
0x46: {  	p1 =	seq.s32 s14, $0x0;
	[sflag:s0] =	ssyncset.done $0x0  }
0x47: {  	s10 =	simm.s32 @!p1 $0xB;
	[sflag:s0] =	ssyncadd.s32 $0xFFFFE000  }
0x48: {  	_ =	swait.ge @!p1 [sflag:s10], $0x2000  }
0x49: {  	[sflag:s10] =	ssyncset.done @!p1 $0x0  }
0x4a: {  	s28 =	simm.s32 $0x0;
	[sflag:s10] =	ssyncadd.s32 @!p1 $0xFFFFE000  }
0x4b: {  	v1 =	vld [tilespmem:s28+$0x2F0]  }
0x4c: {  	v5 =	vld [tilespmem:s28+$0x280]  }
0x4d: {  	v6 =	vld [tilespmem:s28+$0x290]  }
0x4e: {  	v4 =	vld [tilespmem:s28+$0x2A0]  }
0x4f: {  	v3 =	vld [tilespmem:s28+$0x2B0]  }
0x50: {  	v0 =	vld [tilespmem:s28+$0x2C0];
	v7 =	vmul.f32 $1.131370830e+01, v1  }
0x51: {  	v1 =	vld [tilespmem:s28+$0x2D0];
	v5 =	vmul.f32 $1.131370830e+01, v5  }
0x52: {  	s25 =	simm.s32 $0x80;
	s30 =	simm.s32 $0x400;
	v2 =	vld [tilespmem:s28+$0x2E0];
	v6 =	vmul.f32 $1.131370830e+01, v6;
	[tilespmem:s28+$0xA2F0] =	vst v7  }
.LBB2_3:
0x53: {  	p0 =	sne.s32 s30, $0x7E00;
	v7 =	vld [tilespmem:s25+$0x2F0];
	[tilespmem:s28+$0xA280] =	vst v5;
	v4 =	vmul.f32 $1.131370830e+01, v4  }
0x54: {  	v5 =	vld [tilespmem:s25+$0x280];
	[tilespmem:s28+$0xA290] =	vst v6;
	v3 =	vmul.f32 $1.131370830e+01, v3  }
0x55: {  	v6 =	vld [tilespmem:s25+$0x290];
	[tilespmem:s28+$0xA2A0] =	vst v4;
	v0 =	vmul.f32 $1.131370830e+01, v0  }
.Ltmp2:
0x56: {  	v4 =	vld [tilespmem:s25+$0x2A0];
	[tilespmem:s28+$0xA2B0] =	vst v3;
	v1 =	vmul.f32 $1.131370830e+01, v1;
	(pc) =	sbr.rel @p0 .LBB2_3-.Ltmp2, $4  }
0x57: {  	v3 =	vld [tilespmem:s25+$0x2B0];
	[tilespmem:s28+$0xA2C0] =	vst v0;
	v2 =	vmul.f32 $1.131370830e+01, v2  }
0x58: {  	v0 =	vld [tilespmem:s25+$0x2C0];
	v7 =	vmul.f32 $1.131370830e+01, v7;
	[tilespmem:s28+$0xA2D0] =	vst v1  }
0x59: {  	v5 =	vmul.f32 $1.131370830e+01, v5;
	v1 =	vld [tilespmem:s25+$0x2D0];
	[tilespmem:s28+$0xA2E0] =	vst v2;
	s28 =	smov.u32 s25  }
0x5a: {  	s25 =	sshra.s32 s30, $0x2;
	s30 =	sadd.s32 $0x200, s30;
	v6 =	vmul.f32 $1.131370830e+01, v6;
	v2 =	vld [tilespmem:s28+$0x2E0];
	[tilespmem:s28+$0xA2F0] =	vst v7  }
0x5b: {  	v7 =	vld [tilespmem:s25+$0x2F0];
	[tilespmem:s28+$0xA280] =	vst v5;
	v4 =	vmul.f32 $1.131370830e+01, v4  }
0x5c: {  	v5 =	vld [tilespmem:s25+$0x280];
	[tilespmem:s28+$0xA290] =	vst v6;
	v3 =	vmul.f32 $1.131370830e+01, v3  }
0x5d: {  	v6 =	vld [tilespmem:s25+$0x290];
	[tilespmem:s28+$0xA2A0] =	vst v4;
	v0 =	vmul.f32 $1.131370830e+01, v0  }
0x5e: {  	v4 =	vld [tilespmem:s25+$0x2A0];
	[tilespmem:s28+$0xA2B0] =	vst v3;
	v1 =	vmul.f32 $1.131370830e+01, v1  }
0x5f: {  	v3 =	vld [tilespmem:s25+$0x2B0];
	[tilespmem:s28+$0xA2C0] =	vst v0;
	v2 =	vmul.f32 $1.131370830e+01, v2  }
0x60: {  	v0 =	vld [tilespmem:s25+$0x2C0];
	[tilespmem:s28+$0xA2D0] =	vst v1;
	v7 =	vmul.f32 $1.131370830e+01, v7  }
0x61: {  	v1 =	vld [tilespmem:s25+$0x2D0];
	[tilespmem:s28+$0xA2E0] =	vst v2;
	v2 =	vmul.f32 $1.131370830e+01, v5  }
0x62: {  	v5 =	vld [tilespmem:s25+$0x2E0];
	v6 =	vmul.f32 $1.131370830e+01, v6;
	[tilespmem:s25+$0xA2F0] =	vst v7  }
0x63: {  	[tilespmem:s25+$0xA280] =	vst v2;
	v2 =	vmul.f32 $1.131370830e+01, v4  }
0x64: {  	[tilespmem:s25+$0xA290] =	vst v6;
	v3 =	vmul.f32 $1.131370830e+01, v3  }
0x65: {  	s31 =	smul.u32 $0x140, s14;
	[tilespmem:s25+$0xA2A0] =	vst v2;
	v0 =	vmul.f32 $1.131370830e+01, v0  }
0x66: {  	[tilespmem:s25+$0xA2B0] =	vst v3;
	v1 =	vmul.f32 $1.131370830e+01, v1  }
0x67: {  	s10 =	sadd.s32 s5, s31;
	[tilespmem:s25+$0xA2C0] =	vst v0;
	v0 =	vmul.f32 $1.131370830e+01, v5  }
0x68: {  	s10 =	sshll.u32 s10, $0x4;
	[tilespmem:s25+$0xA2D0] =	vst v1  }
0x69: {  	p0 =	seq.s32 s14, $0x13;
	s10 =	sadd.s32 s3, s10;
	[tilespmem:s25+$0xA2E0] =	vst v0;
	s25 =	simm.s32 $0xA280  }
0x6a: {  	[hbm4b:s10+s4] =	stream.linear.scatter [tilespmem:s25], [sflag:$0xB], $0x2000, $0x38;
	[tilespmem:$0x14280] =	vst v63  }
0x6b: {  	s10 =	sadd.s32 @!p0 s31, s12  }
0x6c: {  	s10 =	sshrl.u32 @!p0 s10, $0x3  }
0x6d: {  	s25 =	simm.s32 @!p0 $0x0;
	s10 =	sadd.s32 @!p0 s6, s10  }
0x6e: {  	[tilespmem:s25], [sflag:$0x1] =	stream.linear.gather @!p0 [hbm4b:s10+s25], $0x40, $0x38;
	[tilespmem:$0x14280] =	vst v63  }
0x6f: {  	_ =	swait.ge [sflag:s9], $0x40  }
0x70: {  	[sflag:s9] =	ssyncset.done $0x0  }
0x71: {  	s25 =	simm.s32 $0x8280;
	[sflag:s9] =	ssyncadd.s32 $0xFFFFFFC0  }
0x72: {  	[tilespmem:s25], [sflag:$0xA] =	stream.indirect.gather [hbm4b:s2+s23], $0x80, s1, s23, $0xb8;
	[tilespmem:$0x14280] =	vst v63  }
0x73: {  	_ =	swait.ge [sflag:s11], $0x2000  }
0x74: {  	[sflag:s11] =	ssyncset.done $0x0  }
0x75: {  	s10 =	simm.s32 @!p1 $0xC;
	[sflag:s11] =	ssyncadd.s32 $0xFFFFE000  }
0x76: {  	_ =	swait.ge @!p1 [sflag:s10], $0x2000  }
0x77: {  	[sflag:s10] =	ssyncset.done @!p1 $0x0  }
0x78: {  	s25 =	simm.s32 $0x0;
	[sflag:s10] =	ssyncadd.s32 @!p1 $0xFFFFE000  }
0x79: {  	v1 =	vld [tilespmem:s25+$0x22F0]  }
0x7a: {  	v5 =	vld [tilespmem:s25+$0x2280]  }
0x7b: {  	v6 =	vld [tilespmem:s25+$0x2290]  }
0x7c: {  	v4 =	vld [tilespmem:s25+$0x22A0]  }
0x7d: {  	v3 =	vld [tilespmem:s25+$0x22B0]  }
0x7e: {  	v0 =	vld [tilespmem:s25+$0x22C0];
	v7 =	vmul.f32 $1.131370830e+01, v1  }
0x7f: {  	v1 =	vld [tilespmem:s25+$0x22D0];
	v5 =	vmul.f32 $1.131370830e+01, v5  }
0x80: {  	s30 =	simm.s32 $0x400;
	s28 =	simm.s32 $0x80;
	v2 =	vld [tilespmem:s25+$0x22E0];
	v6 =	vmul.f32 $1.131370830e+01, v6;
	[tilespmem:s25+$0xC2F0] =	vst v7  }
.LBB2_5:
0x81: {  	p2 =	sne.s32 s30, $0x7E00;
	v7 =	vld [tilespmem:s28+$0x22F0];
	[tilespmem:s25+$0xC280] =	vst v5;
	v4 =	vmul.f32 $1.131370830e+01, v4  }
0x82: {  	v5 =	vld [tilespmem:s28+$0x2280];
	[tilespmem:s25+$0xC290] =	vst v6;
	v3 =	vmul.f32 $1.131370830e+01, v3  }
0x83: {  	v6 =	vld [tilespmem:s28+$0x2290];
	[tilespmem:s25+$0xC2A0] =	vst v4;
	v0 =	vmul.f32 $1.131370830e+01, v0  }
.Ltmp3:
0x84: {  	v4 =	vld [tilespmem:s28+$0x22A0];
	[tilespmem:s25+$0xC2B0] =	vst v3;
	v1 =	vmul.f32 $1.131370830e+01, v1;
	(pc) =	sbr.rel @p2 .LBB2_5-.Ltmp3, $4  }
0x85: {  	v3 =	vld [tilespmem:s28+$0x22B0];
	[tilespmem:s25+$0xC2C0] =	vst v0;
	v2 =	vmul.f32 $1.131370830e+01, v2  }
0x86: {  	v0 =	vld [tilespmem:s28+$0x22C0];
	v7 =	vmul.f32 $1.131370830e+01, v7;
	[tilespmem:s25+$0xC2D0] =	vst v1  }
0x87: {  	v5 =	vmul.f32 $1.131370830e+01, v5;
	v1 =	vld [tilespmem:s28+$0x22D0];
	[tilespmem:s25+$0xC2E0] =	vst v2;
	s25 =	smov.u32 s28  }
0x88: {  	s28 =	sshra.s32 s30, $0x2;
	s30 =	sadd.s32 $0x200, s30;
	v6 =	vmul.f32 $1.131370830e+01, v6;
	v2 =	vld [tilespmem:s25+$0x22E0];
	[tilespmem:s25+$0xC2F0] =	vst v7  }
0x89: {  	v7 =	vld [tilespmem:s28+$0x22F0];
	[tilespmem:s25+$0xC280] =	vst v5;
	v4 =	vmul.f32 $1.131370830e+01, v4  }
0x8a: {  	v5 =	vld [tilespmem:s28+$0x2280];
	[tilespmem:s25+$0xC290] =	vst v6;
	v3 =	vmul.f32 $1.131370830e+01, v3  }
0x8b: {  	v6 =	vld [tilespmem:s28+$0x2290];
	[tilespmem:s25+$0xC2A0] =	vst v4;
	v0 =	vmul.f32 $1.131370830e+01, v0  }
0x8c: {  	v4 =	vld [tilespmem:s28+$0x22A0];
	[tilespmem:s25+$0xC2B0] =	vst v3;
	v1 =	vmul.f32 $1.131370830e+01, v1  }
0x8d: {  	v3 =	vld [tilespmem:s28+$0x22B0];
	[tilespmem:s25+$0xC2C0] =	vst v0;
	v2 =	vmul.f32 $1.131370830e+01, v2  }
0x8e: {  	v0 =	vld [tilespmem:s28+$0x22C0];
	[tilespmem:s25+$0xC2D0] =	vst v1;
	v7 =	vmul.f32 $1.131370830e+01, v7  }
0x8f: {  	v1 =	vld [tilespmem:s28+$0x22D0];
	[tilespmem:s25+$0xC2E0] =	vst v2;
	v60 =	vmul.f32 $1.131370830e+01, v5  }
0x90: {  	v61 =	vld [tilespmem:s28+$0x22E0];
	v6 =	vmul.f32 $1.131370830e+01, v6;
	[tilespmem:s28+$0xC2F0] =	vst v7  }
0x91: {  	[tilespmem:s28+$0xC280] =	vst v60;
	v62 =	vmul.f32 $1.131370830e+01, v4  }
0x92: {  	[tilespmem:s28+$0xC290] =	vst v6;
	v3 =	vmul.f32 $1.131370830e+01, v3  }
0x93: {  	p2 =	sne.s32 s14, $0x13;
	s25 =	smul.u32 $0xA000, s14;
	[tilespmem:s28+$0xC2A0] =	vst v62;
	v0 =	vmul.f32 $1.131370830e+01, v0  }
.Ltmp4:
0x94: {  	[tilespmem:s28+$0xC2B0] =	vst v3;
	v1 =	vmul.f32 $1.131370830e+01, v1;
	(pc) =	sbr.rel @p2 .LBB2_8-.Ltmp4, $4  }
0x95: {  	s10 =	sadd.s32 s13, s25;
	[tilespmem:s28+$0xC2C0] =	vst v0;
	v63 =	vmul.f32 $1.131370830e+01, v61  }
0x96: {  	s10 =	sshrl.u32 s10, $0x3;
	[tilespmem:s28+$0xC2D0] =	vst v1  }
0x97: {  	s30 =	simm.s32 $0xC280;
	s10 =	sadd.s32 s3, s10;
	[tilespmem:s28+$0xC2E0] =	vst v63  }
0x98: {  	[hbm4b:s10+s4] =	stream.linear.scatter [tilespmem:s30], [sflag:$0xC], $0x2000, $0x38;
	[tilespmem:$0x14280] =	vst v63  }
.Ltmp5:
0x99: {  	(pc) =	sbr.rel .LBB2_9-.Ltmp5, $4  }
0x9a: {  	_ = 	snop  }
0x9b: {  	_ =	swait.ge [sflag:s7], $0x2000  }
0x9c: {  	[sflag:s7] =	ssyncset.done $0x0  }
0x9d: {  	[sflag:s7] =	ssyncadd.s32 $0xFFFFE000  }
.LBB2_8:
0x9e: {  	s10 =	rddreg [dreg:$0x9]  }
0x9f: {  	s10 =	sadd.s32 s31, s10  }
0xa0: {  	s10 =	sshrl.u32 s10, $0x3  }
0xa1: {  	s28 =	simm.s32 $0x80;
	s10 =	sadd.s32 s6, s10  }
0xa2: {  	[tilespmem:s28], [sflag:$0x2] =	stream.linear.gather [hbm4b:s10+s4], $0x40, $0x38;
	[tilespmem:$0x14280] =	vst v63  }
0xa3: {  	_ =	swait.ge [sflag:s24], $0x40  }
0xa4: {  	[sflag:s24] =	ssyncset.done $0x0  }
.Ltmp6:
0xa5: {  	s30 =	simm.s32 $0x280;
	[sflag:s24] =	ssyncadd.s32 $0xFFFFFFC0;
	(pc) =	sbr.rel @p1 .LBB2_10-.Ltmp6, $4  }
0xa6: {  	[tilespmem:s30], [sflag:$0x6] =	stream.indirect.gather [hbm4b:s2+s23], $0x80, s4, s23, $0xb8;
	[tilespmem:$0x14280] =	vst v63  }
0xa7: {  	_ =	swait.ge [sflag:s7], $0x2000  }
0xa8: {  	[sflag:s7] =	ssyncset.done $0x0  }
0xa9: {  	[sflag:s7] =	ssyncadd.s32 $0xFFFFE000  }
.LBB2_9:
0xaa: {  	_ =	swait.ge [sflag:s22], $0x2000  }
0xab: {  	[sflag:s22] =	ssyncset.done $0x0  }
0xac: {  	[sflag:s22] =	ssyncadd.s32 $0xFFFFE000  }
.LBB2_10:
0xad: {  	s30 =	simm.s32 $0x0  }
0xae: {  	v1 =	vld [tilespmem:s30+$0x42F0]  }
0xaf: {  	v5 =	vld [tilespmem:s30+$0x4280]  }
0xb0: {  	v6 =	vld [tilespmem:s30+$0x4290]  }
0xb1: {  	v4 =	vld [tilespmem:s30+$0x42A0]  }
0xb2: {  	v3 =	vld [tilespmem:s30+$0x42B0]  }
0xb3: {  	v0 =	vld [tilespmem:s30+$0x42C0];
	v7 =	vmul.f32 $1.131370830e+01, v1  }
0xb4: {  	v1 =	vld [tilespmem:s30+$0x42D0];
	v5 =	vmul.f32 $1.131370830e+01, v5  }
0xb5: {  	s28 =	simm.s32 $0x80;
	s10 =	simm.s32 $0x400;
	v2 =	vld [tilespmem:s30+$0x42E0];
	v6 =	vmul.f32 $1.131370830e+01, v6;
	[tilespmem:s30+$0xE2F0] =	vst v7  }
.LBB2_11:
0xb6: {  	p3 =	sne.s32 s10, $0x7E00;
	v7 =	vld [tilespmem:s28+$0x42F0];
	[tilespmem:s30+$0xE280] =	vst v5;
	v4 =	vmul.f32 $1.131370830e+01, v4  }
0xb7: {  	v5 =	vld [tilespmem:s28+$0x4280];
	[tilespmem:s30+$0xE290] =	vst v6;
	v3 =	vmul.f32 $1.131370830e+01, v3  }
0xb8: {  	v6 =	vld [tilespmem:s28+$0x4290];
	[tilespmem:s30+$0xE2A0] =	vst v4;
	v0 =	vmul.f32 $1.131370830e+01, v0  }
.Ltmp7:
0xb9: {  	v4 =	vld [tilespmem:s28+$0x42A0];
	[tilespmem:s30+$0xE2B0] =	vst v3;
	v1 =	vmul.f32 $1.131370830e+01, v1;
	(pc) =	sbr.rel @p3 .LBB2_11-.Ltmp7, $4  }
0xba: {  	v3 =	vld [tilespmem:s28+$0x42B0];
	[tilespmem:s30+$0xE2C0] =	vst v0;
	v2 =	vmul.f32 $1.131370830e+01, v2  }
0xbb: {  	v0 =	vld [tilespmem:s28+$0x42C0];
	v7 =	vmul.f32 $1.131370830e+01, v7;
	[tilespmem:s30+$0xE2D0] =	vst v1  }
0xbc: {  	v5 =	vmul.f32 $1.131370830e+01, v5;
	v1 =	vld [tilespmem:s28+$0x42D0];
	[tilespmem:s30+$0xE2E0] =	vst v2;
	s30 =	smov.u32 s28  }
0xbd: {  	s28 =	sshra.s32 s10, $0x2;
	s10 =	sadd.s32 $0x200, s10;
	v6 =	vmul.f32 $1.131370830e+01, v6;
	v2 =	vld [tilespmem:s30+$0x42E0];
	[tilespmem:s30+$0xE2F0] =	vst v7  }
0xbe: {  	v7 =	vld [tilespmem:s28+$0x42F0];
	[tilespmem:s30+$0xE280] =	vst v5;
	v4 =	vmul.f32 $1.131370830e+01, v4  }
0xbf: {  	v5 =	vld [tilespmem:s28+$0x4280];
	[tilespmem:s30+$0xE290] =	vst v6;
	v3 =	vmul.f32 $1.131370830e+01, v3  }
0xc0: {  	v6 =	vld [tilespmem:s28+$0x4290];
	[tilespmem:s30+$0xE2A0] =	vst v4;
	v0 =	vmul.f32 $1.131370830e+01, v0  }
0xc1: {  	v4 =	vld [tilespmem:s28+$0x42A0];
	[tilespmem:s30+$0xE2B0] =	vst v3;
	v1 =	vmul.f32 $1.131370830e+01, v1  }
0xc2: {  	v3 =	vld [tilespmem:s28+$0x42B0];
	[tilespmem:s30+$0xE2C0] =	vst v0;
	v2 =	vmul.f32 $1.131370830e+01, v2  }
0xc3: {  	v0 =	vld [tilespmem:s28+$0x42C0];
	[tilespmem:s30+$0xE2D0] =	vst v1;
	v7 =	vmul.f32 $1.131370830e+01, v7  }
0xc4: {  	v1 =	vld [tilespmem:s28+$0x42D0];
	[tilespmem:s30+$0xE2E0] =	vst v2;
	v60 =	vmul.f32 $1.131370830e+01, v5  }
0xc5: {  	v61 =	vld [tilespmem:s28+$0x42E0];
	v6 =	vmul.f32 $1.131370830e+01, v6;
	[tilespmem:s28+$0xE2F0] =	vst v7  }
0xc6: {  	[tilespmem:s28+$0xE280] =	vst v60;
	v62 =	vmul.f32 $1.131370830e+01, v4  }
0xc7: {  	[tilespmem:s28+$0xE290] =	vst v6;
	v3 =	vmul.f32 $1.131370830e+01, v3  }
0xc8: {  	[tilespmem:s28+$0xE2A0] =	vst v62;
	v0 =	vmul.f32 $1.131370830e+01, v0  }
.Ltmp8:
0xc9: {  	[tilespmem:s28+$0xE2B0] =	vst v3;
	v1 =	vmul.f32 $1.131370830e+01, v1;
	(pc) =	sbr.rel @p2 .LBB2_14-.Ltmp8, $4  }
0xca: {  	s10 =	sadd.s32 s15, s25;
	[tilespmem:s28+$0xE2C0] =	vst v0;
	v63 =	vmul.f32 $1.131370830e+01, v61  }
0xcb: {  	s10 =	sshrl.u32 s10, $0x3;
	[tilespmem:s28+$0xE2D0] =	vst v1  }
0xcc: {  	s10 =	sadd.s32 s3, s10;
	s30 =	simm.s32 $0xE280;
	[tilespmem:s28+$0xE2E0] =	vst v63  }
0xcd: {  	[hbm4b:s10+s4] =	stream.linear.scatter [tilespmem:s30], [sflag:$0xD], $0x2000, $0x38;
	[tilespmem:$0x14280] =	vst v63  }
.Ltmp9:
0xce: {  	(pc) =	sbr.rel .LBB2_15-.Ltmp9, $4  }
0xcf: {  	_ = 	snop  }
0xd0: {  	_ =	swait.ge [sflag:s26], $0x2000  }
0xd1: {  	[sflag:s26] =	ssyncset.done $0x0  }
0xd2: {  	[sflag:s26] =	ssyncadd.s32 $0xFFFFE000  }
.LBB2_14:
0xd3: {  	s10 =	rddreg [dreg:$0xa]  }
0xd4: {  	s10 =	sadd.s32 s31, s10  }
0xd5: {  	s10 =	sshrl.u32 s10, $0x3  }
0xd6: {  	s28 =	simm.s32 $0x100;
	s10 =	sadd.s32 s6, s10  }
0xd7: {  	[tilespmem:s28], [sflag:$0x3] =	stream.linear.gather [hbm4b:s10+s4], $0x40, $0x38;
	[tilespmem:$0x14280] =	vst v63  }
0xd8: {  	s28 =	simm.s32 $0x2  }
0xd9: {  	_ =	swait.ge [sflag:s28], $0x40  }
0xda: {  	s30 =	simm.s32 $0x2280;
	[sflag:s28] =	ssyncset.done $0x0  }
.Ltmp10:
0xdb: {  	s10 =	simm.s32 $0x80;
	[sflag:s28] =	ssyncadd.s32 $0xFFFFFFC0;
	(pc) =	sbr.rel @p1 .LBB2_16-.Ltmp10, $4  }
0xdc: {  	[tilespmem:s30], [sflag:$0x7] =	stream.indirect.gather [hbm4b:s2+s23], $0x80, s10, s23, $0xb8;
	[tilespmem:$0x14280] =	vst v63  }
0xdd: {  	_ =	swait.ge [sflag:s26], $0x2000  }
0xde: {  	[sflag:s26] =	ssyncset.done $0x0  }
0xdf: {  	[sflag:s26] =	ssyncadd.s32 $0xFFFFE000  }
.LBB2_15:
0xe0: {  	_ =	swait.ge [sflag:s29], $0x2000  }
0xe1: {  	[sflag:s29] =	ssyncset.done $0x0  }
0xe2: {  	[sflag:s29] =	ssyncadd.s32 $0xFFFFE000  }
.LBB2_16:
0xe3: {  	s30 =	simm.s32 $0x0  }
0xe4: {  	v1 =	vld [tilespmem:s30+$0x62F0]  }
0xe5: {  	v5 =	vld [tilespmem:s30+$0x6280]  }
0xe6: {  	v6 =	vld [tilespmem:s30+$0x6290]  }
0xe7: {  	v4 =	vld [tilespmem:s30+$0x62A0]  }
0xe8: {  	v3 =	vld [tilespmem:s30+$0x62B0]  }
0xe9: {  	v0 =	vld [tilespmem:s30+$0x62C0];
	v7 =	vmul.f32 $1.131370830e+01, v1  }
0xea: {  	v1 =	vld [tilespmem:s30+$0x62D0];
	v5 =	vmul.f32 $1.131370830e+01, v5  }
0xeb: {  	s28 =	simm.s32 $0x80;
	s10 =	simm.s32 $0x400;
	v2 =	vld [tilespmem:s30+$0x62E0];
	v6 =	vmul.f32 $1.131370830e+01, v6;
	[tilespmem:s30+$0x102F0] =	vst v7  }
.LBB2_17:
0xec: {  	p3 =	sne.s32 s10, $0x7E00;
	v7 =	vld [tilespmem:s28+$0x62F0];
	[tilespmem:s30+$0x10280] =	vst v5;
	v4 =	vmul.f32 $1.131370830e+01, v4  }
0xed: {  	v5 =	vld [tilespmem:s28+$0x6280];
	[tilespmem:s30+$0x10290] =	vst v6;
	v3 =	vmul.f32 $1.131370830e+01, v3  }
0xee: {  	v6 =	vld [tilespmem:s28+$0x6290];
	[tilespmem:s30+$0x102A0] =	vst v4;
	v0 =	vmul.f32 $1.131370830e+01, v0  }
.Ltmp11:
0xef: {  	v4 =	vld [tilespmem:s28+$0x62A0];
	[tilespmem:s30+$0x102B0] =	vst v3;
	v1 =	vmul.f32 $1.131370830e+01, v1;
	(pc) =	sbr.rel @p3 .LBB2_17-.Ltmp11, $4  }
0xf0: {  	v3 =	vld [tilespmem:s28+$0x62B0];
	[tilespmem:s30+$0x102C0] =	vst v0;
	v2 =	vmul.f32 $1.131370830e+01, v2  }
0xf1: {  	v0 =	vld [tilespmem:s28+$0x62C0];
	v7 =	vmul.f32 $1.131370830e+01, v7;
	[tilespmem:s30+$0x102D0] =	vst v1  }
0xf2: {  	v5 =	vmul.f32 $1.131370830e+01, v5;
	v1 =	vld [tilespmem:s28+$0x62D0];
	[tilespmem:s30+$0x102E0] =	vst v2;
	s30 =	smov.u32 s28  }
0xf3: {  	s28 =	sshra.s32 s10, $0x2;
	s10 =	sadd.s32 $0x200, s10;
	v6 =	vmul.f32 $1.131370830e+01, v6;
	v2 =	vld [tilespmem:s30+$0x62E0];
	[tilespmem:s30+$0x102F0] =	vst v7  }
0xf4: {  	v7 =	vld [tilespmem:s28+$0x62F0];
	[tilespmem:s30+$0x10280] =	vst v5;
	v4 =	vmul.f32 $1.131370830e+01, v4  }
0xf5: {  	v5 =	vld [tilespmem:s28+$0x6280];
	[tilespmem:s30+$0x10290] =	vst v6;
	v3 =	vmul.f32 $1.131370830e+01, v3  }
0xf6: {  	v6 =	vld [tilespmem:s28+$0x6290];
	[tilespmem:s30+$0x102A0] =	vst v4;
	v0 =	vmul.f32 $1.131370830e+01, v0  }
0xf7: {  	v4 =	vld [tilespmem:s28+$0x62A0];
	[tilespmem:s30+$0x102B0] =	vst v3;
	v1 =	vmul.f32 $1.131370830e+01, v1  }
0xf8: {  	v3 =	vld [tilespmem:s28+$0x62B0];
	[tilespmem:s30+$0x102C0] =	vst v0;
	v2 =	vmul.f32 $1.131370830e+01, v2  }
0xf9: {  	v0 =	vld [tilespmem:s28+$0x62C0];
	[tilespmem:s30+$0x102D0] =	vst v1;
	v7 =	vmul.f32 $1.131370830e+01, v7  }
0xfa: {  	v1 =	vld [tilespmem:s28+$0x62D0];
	[tilespmem:s30+$0x102E0] =	vst v2;
	v60 =	vmul.f32 $1.131370830e+01, v5  }
0xfb: {  	v61 =	vld [tilespmem:s28+$0x62E0];
	v6 =	vmul.f32 $1.131370830e+01, v6;
	[tilespmem:s28+$0x102F0] =	vst v7  }
0xfc: {  	[tilespmem:s28+$0x10280] =	vst v60;
	v62 =	vmul.f32 $1.131370830e+01, v4  }
0xfd: {  	[tilespmem:s28+$0x10290] =	vst v6;
	v3 =	vmul.f32 $1.131370830e+01, v3  }
0xfe: {  	[tilespmem:s28+$0x102A0] =	vst v62;
	v0 =	vmul.f32 $1.131370830e+01, v0  }
.Ltmp12:
0xff: {  	[tilespmem:s28+$0x102B0] =	vst v3;
	v1 =	vmul.f32 $1.131370830e+01, v1;
	(pc) =	sbr.rel @p2 .LBB2_20-.Ltmp12, $4  }
0x100: {  	s10 =	sadd.s32 s17, s25;
	[tilespmem:s28+$0x102C0] =	vst v0;
	v63 =	vmul.f32 $1.131370830e+01, v61  }
0x101: {  	s10 =	sshrl.u32 s10, $0x3;
	[tilespmem:s28+$0x102D0] =	vst v1  }
0x102: {  	s10 =	sadd.s32 s3, s10;
	s30 =	simm.s32 $0x10280;
	[tilespmem:s28+$0x102E0] =	vst v63  }
0x103: {  	[hbm4b:s10+s4] =	stream.linear.scatter [tilespmem:s30], [sflag:$0xE], $0x2000, $0x38;
	[tilespmem:$0x14280] =	vst v63  }
.Ltmp13:
0x104: {  	(pc) =	sbr.rel .LBB2_21-.Ltmp13, $4  }
0x105: {  	_ = 	snop  }
0x106: {  	_ =	swait.ge [sflag:s16], $0x2000  }
0x107: {  	[sflag:s16] =	ssyncset.done $0x0  }
0x108: {  	[sflag:s16] =	ssyncadd.s32 $0xFFFFE000  }
.LBB2_20:
0x109: {  	s10 =	rddreg [dreg:$0xb]  }
0x10a: {  	s10 =	sadd.s32 s31, s10  }
0x10b: {  	s10 =	sshrl.u32 s10, $0x3  }
0x10c: {  	s28 =	simm.s32 $0x3;
	s10 =	sadd.s32 s6, s10  }
0x10d: {  	[tilespmem:s21], [sflag:$0x4] =	stream.linear.gather [hbm4b:s10+s4], $0x40, $0x38;
	[tilespmem:$0x14280] =	vst v63  }
0x10e: {  	_ =	swait.ge [sflag:s28], $0x40  }
0x10f: {  	s30 =	simm.s32 $0x100;
	[sflag:s28] =	ssyncset.done $0x0  }
.Ltmp14:
0x110: {  	[sflag:s28] =	ssyncadd.s32 $0xFFFFFFC0;
	s28 =	simm.s32 $0x4280;
	(pc) =	sbr.rel @p1 .LBB2_22-.Ltmp14, $4  }
0x111: {  	[tilespmem:s28], [sflag:$0x8] =	stream.indirect.gather [hbm4b:s2+s23], $0x80, s30, s23, $0xb8;
	[tilespmem:$0x14280] =	vst v63  }
0x112: {  	_ =	swait.ge [sflag:s16], $0x2000  }
0x113: {  	[sflag:s16] =	ssyncset.done $0x0  }
0x114: {  	[sflag:s16] =	ssyncadd.s32 $0xFFFFE000  }
.LBB2_21:
0x115: {  	_ =	swait.ge [sflag:s18], $0x2000  }
0x116: {  	[sflag:s18] =	ssyncset.done $0x0  }
0x117: {  	[sflag:s18] =	ssyncadd.s32 $0xFFFFE000  }
.LBB2_22:
0x118: {  	s30 =	simm.s32 $0x0  }
0x119: {  	v1 =	vld [tilespmem:s30+$0x82F0]  }
0x11a: {  	v5 =	vld [tilespmem:s30+$0x8280]  }
0x11b: {  	v6 =	vld [tilespmem:s30+$0x8290]  }
0x11c: {  	v4 =	vld [tilespmem:s30+$0x82A0]  }
0x11d: {  	v3 =	vld [tilespmem:s30+$0x82B0]  }
0x11e: {  	v0 =	vld [tilespmem:s30+$0x82C0];
	v7 =	vmul.f32 $1.131370830e+01, v1  }
0x11f: {  	v1 =	vld [tilespmem:s30+$0x82D0];
	v5 =	vmul.f32 $1.131370830e+01, v5  }
0x120: {  	s28 =	simm.s32 $0x80;
	s10 =	simm.s32 $0x400;
	v2 =	vld [tilespmem:s30+$0x82E0];
	v6 =	vmul.f32 $1.131370830e+01, v6;
	[tilespmem:s30+$0x122F0] =	vst v7  }
.LBB2_23:
0x121: {  	p1 =	sne.s32 s10, $0x7E00;
	v7 =	vld [tilespmem:s28+$0x82F0];
	[tilespmem:s30+$0x12280] =	vst v5;
	v4 =	vmul.f32 $1.131370830e+01, v4  }
0x122: {  	v5 =	vld [tilespmem:s28+$0x8280];
	[tilespmem:s30+$0x12290] =	vst v6;
	v3 =	vmul.f32 $1.131370830e+01, v3  }
0x123: {  	v6 =	vld [tilespmem:s28+$0x8290];
	[tilespmem:s30+$0x122A0] =	vst v4;
	v0 =	vmul.f32 $1.131370830e+01, v0  }
.Ltmp15:
0x124: {  	v4 =	vld [tilespmem:s28+$0x82A0];
	[tilespmem:s30+$0x122B0] =	vst v3;
	v1 =	vmul.f32 $1.131370830e+01, v1;
	(pc) =	sbr.rel @p1 .LBB2_23-.Ltmp15, $4  }
0x125: {  	v3 =	vld [tilespmem:s28+$0x82B0];
	[tilespmem:s30+$0x122C0] =	vst v0;
	v2 =	vmul.f32 $1.131370830e+01, v2  }
0x126: {  	v0 =	vld [tilespmem:s28+$0x82C0];
	v7 =	vmul.f32 $1.131370830e+01, v7;
	[tilespmem:s30+$0x122D0] =	vst v1  }
0x127: {  	v5 =	vmul.f32 $1.131370830e+01, v5;
	v1 =	vld [tilespmem:s28+$0x82D0];
	[tilespmem:s30+$0x122E0] =	vst v2;
	s30 =	smov.u32 s28  }
0x128: {  	s28 =	sshra.s32 s10, $0x2;
	s10 =	sadd.s32 $0x200, s10;
	v6 =	vmul.f32 $1.131370830e+01, v6;
	v2 =	vld [tilespmem:s30+$0x82E0];
	[tilespmem:s30+$0x122F0] =	vst v7  }
0x129: {  	v7 =	vld [tilespmem:s28+$0x82F0];
	[tilespmem:s30+$0x12280] =	vst v5;
	v4 =	vmul.f32 $1.131370830e+01, v4  }
0x12a: {  	v5 =	vld [tilespmem:s28+$0x8280];
	[tilespmem:s30+$0x12290] =	vst v6;
	v3 =	vmul.f32 $1.131370830e+01, v3  }
0x12b: {  	v6 =	vld [tilespmem:s28+$0x8290];
	[tilespmem:s30+$0x122A0] =	vst v4;
	v0 =	vmul.f32 $1.131370830e+01, v0  }
0x12c: {  	v4 =	vld [tilespmem:s28+$0x82A0];
	[tilespmem:s30+$0x122B0] =	vst v3;
	v1 =	vmul.f32 $1.131370830e+01, v1  }
0x12d: {  	v3 =	vld [tilespmem:s28+$0x82B0];
	[tilespmem:s30+$0x122C0] =	vst v0;
	v2 =	vmul.f32 $1.131370830e+01, v2  }
0x12e: {  	v0 =	vld [tilespmem:s28+$0x82C0];
	[tilespmem:s30+$0x122D0] =	vst v1;
	v7 =	vmul.f32 $1.131370830e+01, v7  }
0x12f: {  	v1 =	vld [tilespmem:s28+$0x82D0];
	[tilespmem:s30+$0x122E0] =	vst v2;
	v60 =	vmul.f32 $1.131370830e+01, v5  }
0x130: {  	v61 =	vld [tilespmem:s28+$0x82E0];
	v6 =	vmul.f32 $1.131370830e+01, v6;
	[tilespmem:s28+$0x122F0] =	vst v7  }
0x131: {  	[tilespmem:s28+$0x12280] =	vst v60;
	v62 =	vmul.f32 $1.131370830e+01, v4  }
0x132: {  	[tilespmem:s28+$0x12290] =	vst v6;
	v3 =	vmul.f32 $1.131370830e+01, v3  }
0x133: {  	[tilespmem:s28+$0x122A0] =	vst v62;
	v0 =	vmul.f32 $1.131370830e+01, v0  }
.Ltmp16:
0x134: {  	[tilespmem:s28+$0x122B0] =	vst v3;
	v1 =	vmul.f32 $1.131370830e+01, v1;
	(pc) =	sbr.rel @p0 .LBB2_26-.Ltmp16, $4  }
0x135: {  	s10 =	sadd.s32 s19, s25;
	[tilespmem:s28+$0x122C0] =	vst v0;
	v63 =	vmul.f32 $1.131370830e+01, v61  }
0x136: {  	s10 =	sshrl.u32 s10, $0x3;
	[tilespmem:s28+$0x122D0] =	vst v1  }
0x137: {  	s10 =	sadd.s32 s3, s10;
	s30 =	simm.s32 $0x12280;
	[tilespmem:s28+$0x122E0] =	vst v63  }
0x138: {  	[hbm4b:s10+s4] =	stream.linear.scatter [tilespmem:s30], [sflag:$0xF], $0x2000, $0x38;
	[tilespmem:$0x14280] =	vst v63  }
0x139: {  	s10 =	sadd.s32 s31, s20  }
0x13a: {  	s10 =	sshrl.u32 s10, $0x3  }
0x13b: {  	s10 =	sadd.s32 s6, s10  }
0x13c: {  	[tilespmem:s1], [sflag:$0x5] =	stream.linear.gather [hbm4b:s10+s4], $0x40, $0x38;
	[tilespmem:$0x14280] =	vst v63  }
.Ltmp17:
0x13d: {  	_ = 	snop;
	(pc) =	sbr.rel .LBB2_2-.Ltmp17, $4  }
0x13e: {  	_ =	swait.ge [sflag:s8], $0x40  }
0x13f: {  	[sflag:s8] =	ssyncset.done $0x0  }
0x140: {  	s31 =	simm.s32 $0x6280;
	s14 =	sadd.s32 $0x1, s14;
	[sflag:s8] =	ssyncadd.s32 $0xFFFFFFC0  }
0x141: {  	[tilespmem:s31], [sflag:$0x9] =	stream.indirect.gather [hbm4b:s2+s23], $0x80, s21, s23, $0xb8;
	[tilespmem:$0x14280] =	vst v63  }
.LBB2_27:
0x142: {  	_ =	sfence.sel $0x180000  }
0x143: {  	[bflag:$0x0] =	sbarrier.arrive $0xFFFF  }
0x144: {  	_ =	strace $0x90000047  }
0x145: {  	s0 =	stileid.u32;
	[bflag:$0x2] =	sbarrier.arrive $0xFFFF  }
0x146: {  	p0 =	sne.s32 s0, $0x0;
	s0 =	rddreg [dreg:$0x3]  }
0x147: {  	s0 =	sadd.s32 @!p0 $0x100000, s0  }
0x148: {  	[sflag:s0] =	ssyncadd.tile.s32 @!p0 $0x1;
	_ =	shalt  }
.Lfunc_end2:
_tile_overlayer_lowered:
.L_overlay_start_2:
0x149: {  	(tag) =	ssettag $0x2  }
0x14a: {  	s0 =	rddreg [dreg:$0x0];
	s2 =	stileid.u32  }
0x14b: {  	s1 =	rddreg [dreg:$0x1];
	p0 =	sne.s32 s2, $0x0  }
0x14c: {  	s3 =	rddreg [dreg:$0x2];
	[bflag:$0x3] =	sbarrier.arrive $0xFFFF;
	s2 =	simm.s32 @!p0 $0x1C10  }
0x14d: {  	[timem:s3], [sflag:s2] =	dma.local @!p0 [hbm:s0], s1  }
0x14e: {  	s0 =	simm.s32 @!p0 $0x10  }
0x14f: {  	_ =	swait.ge @!p0 [sflag:s0], s1  }
0x150: {  	s1 =	ssub.s32 @!p0 $0x0, s1;
	[sflag:s0] =	ssyncset.done @!p0 $0x0  }
0x151: {  	[sflag:s0] =	ssyncadd.s32 @!p0 s1  }
0x152: {  	[bflag:$0x3] =	sbarrier.arrive $0xFFFF  }
0x153: {  	_ =	shalt  }

</sc_bundles>
